<compile_context>
chip_gen: v7x
topology: tpu7x:2x2x1
jax: 0.10.2.dev20260603
libtpu: 0.0.44.dev20260713+nightly
codegen_flags: <defaults>
</compile_context>

<pallas_src>
import jax
import jax.numpy as jnp
import numpy as np
from jax.experimental import pallas as pl
from jax.experimental.pallas import tpu as pltpu

B = 16
M = 2048
D = 256
H = 8
A = 64
O = 64
HO = H * O
TM = 512
NT = M // TM
R = 4
SH = R * H
OUTW = HO + 128


def _agg_kernel(xf_ref, wqk_ref, bqk_ref, wv_ref, bv_ref,
                seg_ref, exp_ref, out_ref, sc_ref):
    ens = [jnp.sum(xf_ref[r, M:, :]) for r in range(R)]

    for t in range(NT):
        s = None
        for r in range(R):
            xt = xf_ref[r, t * TM:(t + 1) * TM, :].astype(jnp.bfloat16)
            qk2 = jnp.dot(xt, wqk_ref[...],
                          preferred_element_type=jnp.float32) + bqk_ref[...]
            q = qk2[:, :HO]
            k = qk2[:, HO:]
            d = jnp.dot((q * k).astype(jnp.bfloat16), seg_ref[r],
                        preferred_element_type=jnp.float32)
            s = d if s is None else s + d
        sc_ref[t * TM:(t + 1) * TM, :] = s

    en_vec = jnp.concatenate(
        [jnp.full((1, H), ens[r], jnp.float32) for r in range(R)], axis=1)
    rows = jax.lax.broadcasted_iota(jnp.int32, (M, SH), 0)
    pm = jnp.where(rows.astype(jnp.float32) < en_vec, 1.0, 0.0)
    z = sc_ref[...] * pm
    zmax = jnp.max(jnp.maximum(z, 0.0), axis=0, keepdims=True)
    ez = jnp.exp(z - zmax) * pm
    denom = jnp.sum(ez, axis=0, keepdims=True) + 1.0
    wts = ez / denom

    for r in range(R):
        w_r = wts[:, H * r:H * (r + 1)]
        xbar = jax.lax.dot_general(w_r, xf_ref[r, :M, :],
                                   (((0,), (0,)), ((), ())),
                                   preferred_element_type=jnp.float32)
        hsum = jnp.sum(w_r, axis=0, keepdims=True)
        vout = jnp.dot(xbar, wv_ref[...], preferred_element_type=jnp.float32)
        acc = (jnp.sum(vout * exp_ref[...], axis=0, keepdims=True)
               + jnp.dot(hsum, exp_ref[...], preferred_element_type=jnp.float32)
               * bv_ref[...])
        frac = jnp.full((1, OUTW - HO), ens[r] * (1.0 / M), jnp.float32)
        out_ref[r] = jnp.concatenate([acc, frac], axis=1)


def kernel(x, Ws, bs, Wq, bq, Wk, bk, Wv, bv):
    xall = x.reshape(B, M + 8, D)

    wqk_f = jnp.concatenate([Ws @ Wq, Ws @ Wk], axis=1).astype(jnp.bfloat16)
    bqk_f = jnp.concatenate([bs @ Wq + bq, bs @ Wk + bk]).reshape(1, 2 * HO)
    wv_f = Ws @ Wv
    bv_f = (bs @ Wv + bv).reshape(1, HO)

    seg_np = np.zeros((R, HO, SH), np.float32)
    for r in range(R):
        for h in range(H):
            seg_np[r, h * A:(h + 1) * A, H * r + h] = 1.0 / np.sqrt(A)
    seg = jnp.asarray(seg_np, jnp.bfloat16)
    exp = jnp.asarray(np.kron(np.eye(H), np.ones((1, O))), jnp.float32)

    const = lambda b: (0, 0)
    call = pl.pallas_call(
        _agg_kernel,
        grid=(B // R,),
        in_specs=[
            pl.BlockSpec((R, M + 8, D), lambda b: (b, 0, 0)),
            pl.BlockSpec((D, 2 * HO), const),
            pl.BlockSpec((1, 2 * HO), const),
            pl.BlockSpec((D, HO), const),
            pl.BlockSpec((1, HO), const),
            pl.BlockSpec((R, HO, SH), lambda b: (0, 0, 0)),
            pl.BlockSpec((H, HO), const),
        ],
        out_specs=pl.BlockSpec((R, 1, OUTW), lambda b: (b, 0, 0)),
        out_shape=jax.ShapeDtypeStruct((B, 1, OUTW), jnp.float32),
        scratch_shapes=[pltpu.VMEM((M, SH), jnp.float32)],
        compiler_params=pltpu.CompilerParams(
            dimension_semantics=("parallel",)),
    )
    out = call(xall, wqk_f, bqk_f, wv_f, bv_f, seg, exp)
    return out.reshape(B, OUTW)[:, : HO + 1]

# --- scband reference (transcript-rebuilt; emitter-appended) ---
"""Pipeline reference for scband-aggregate-set-16535624090064 (READ-ONLY COPY).

The authoritative reference and input builder live on the scoring server;
editing this copy changes nothing except your own understanding.
"""

import jax, jax.numpy as jnp
import numpy as np

B = 16
M = 2048
D = 256
H = 8
A = 64
O = 64


def setup_inputs(seed: int = 0) -> dict:
    key = jax.random.key(seed)
    ks = jax.random.split(key, 8)
    # x = [features (M*D) | mask (M)]; fill=ones -> all elements valid, left-aligned mask semantics
    x = jnp.ones((B, M * D + M), dtype=jnp.float32)
    Ws = jax.random.normal(ks[0], (D, D), dtype=jnp.float32) * 0.02
    bs = jnp.zeros((D,), dtype=jnp.float32)
    Wq = jax.random.normal(ks[1], (D, H * A), dtype=jnp.float32) * 0.02
    bq = jnp.zeros((H * A,), dtype=jnp.float32)
    Wk = jax.random.normal(ks[2], (D, H * A), dtype=jnp.float32) * 0.02
    bk = jnp.zeros((H * A,), dtype=jnp.float32)
    Wv = jax.random.normal(ks[3], (D, H * O), dtype=jnp.float32) * 0.02
    bv = jnp.zeros((H * O,), dtype=jnp.float32)
    return {"x": x, "Ws": Ws, "bs": bs, "Wq": Wq, "bq": bq, "Wk": Wk, "bk": bk, "Wv": Wv, "bv": bv}


def reference(x, Ws, bs, Wq, bq, Wk, bk, Wv, bv):
    # mask -> per-row element counts (torch code gathers the FIRST en elements of each row:
    # elem_ei = arange(en), so the ragged set is left-aligned; equivalent dense form below)
    mask = x[:, M * D:]
    en = jax.lax.stop_gradient(jnp.sum(mask.astype(jnp.int32), axis=1))  # [B]
    pm = (jnp.arange(M)[None, :] < en[:, None]).astype(jnp.float32)      # [B, M] position-valid mask

    xelem = x[:, : M * D].reshape(B, M, D)
    activ = xelem @ Ws + bs                                  # sublayer
    q = (activ @ Wq + bq).reshape(B, M, H, A)
    k = (activ @ Wk + bk).reshape(B, M, H, A)
    v = (activ @ Wv + bv).reshape(B, M, H, O)

    # scatter of per-element scores into padded [B, M, H]; invalid slots are zero
    scores = (q * k).sum(axis=-1) / np.sqrt(A)               # [B, M, H]
    z = scores * pm[:, :, None]
    am = jnp.broadcast_to(pm[:, :, None], z.shape)           # attention_mask

    # _softmax_plus_one_masked over dim=1
    z_pos_max = jnp.max(jax.nn.relu(z * am), axis=1, keepdims=True)
    ez = jnp.exp(z - z_pos_max)
    attn = am * (ez / (jnp.sum(am * ez, axis=1, keepdims=True) + 1.0))   # [B, M, H]

    value_padded = v * pm[:, :, None, None]                  # [B, M, H, O]
    out_main = (value_padded * attn[..., None]).sum(axis=1).reshape(B, H * O)
    frac = (en.astype(jnp.float32) / float(M))[:, None]
    return jnp.concatenate([out_main, frac], axis=1)         # [B, H*O + 1]

if __name__ == "__main__":
    import jax
    _d = setup_inputs()
    print(jax.jit(kernel)(*tuple(_d.values())))

</pallas_src>

<mosaic_0001>
module attributes {stable_mosaic.version = 14 : i64} {
  func.func @_agg_kernel(%arg0: i32, %arg1: memref<4x2056x256xf32, #tpu.memory_space<vmem>>, %arg2: memref<256x1024xbf16, #tpu.memory_space<vmem>>, %arg3: memref<1x1024xf32, #tpu.memory_space<vmem>>, %arg4: memref<256x512xf32, #tpu.memory_space<vmem>>, %arg5: memref<1x512xf32, #tpu.memory_space<vmem>>, %arg6: memref<4x512x32xbf16, #tpu.memory_space<vmem>>, %arg7: memref<8x512xf32, #tpu.memory_space<vmem>>, %arg8: memref<4x1x640xf32, #tpu.memory_space<vmem>>, %arg9: memref<2048x32xf32, #tpu.memory_space<vmem>>) attributes {dimension_semantics = [#tpu.dimension_semantics<parallel>], iteration_bounds = array<i64: 4>, scalar_prefetch = 0 : i64, scratch_operands = 1 : i64, tpu.core_type = #tpu.core_type<tc>, window_params = [{transform_indices = @transform_0, window_bounds = array<i64: 4, 2056, 256>}, {pipeline_mode = #tpu.pipeline_mode<synchronous>, transform_indices = @transform_1, window_bounds = array<i64: 256, 1024>}, {pipeline_mode = #tpu.pipeline_mode<synchronous>, transform_indices = @transform_2, window_bounds = array<i64: 1, 1024>}, {pipeline_mode = #tpu.pipeline_mode<synchronous>, transform_indices = @transform_3, window_bounds = array<i64: 256, 512>}, {pipeline_mode = #tpu.pipeline_mode<synchronous>, transform_indices = @transform_4, window_bounds = array<i64: 1, 512>}, {pipeline_mode = #tpu.pipeline_mode<synchronous>, transform_indices = @transform_5, window_bounds = array<i64: 4, 512, 32>}, {pipeline_mode = #tpu.pipeline_mode<synchronous>, transform_indices = @transform_6, window_bounds = array<i64: 8, 512>}, {transform_indices = @transform_7, window_bounds = array<i64: 4, 1, 640>}]} {
    %get3A = arith.constant 0 : index
    %get3A_0 = arith.constant 2048 : index
    %get3A_1 = arith.constant 0 : index
    %get3A_2 = vector.load %arg1[%get3A, %get3A_0, %get3A_1] : memref<4x2056x256xf32, #tpu.memory_space<vmem>>, vector<1x8x256xf32>
    %get3A_3 = vector.shape_cast %get3A_2 : vector<1x8x256xf32> to vector<8x256xf32>
    %reduce_sum3A = vector.shape_cast %get3A_3 : vector<8x256xf32> to vector<1x8x256xf32>
    %reduce_sum3A_4 = arith.constant dense<0.000000e+00> : vector<1xf32>
    %reduce_sum3A_5 = vector.multi_reduction <add>, %reduce_sum3A, %reduce_sum3A_4 [1, 2] : vector<1x8x256xf32> to vector<1xf32>
    %reduce_sum3A_6 = vector.shape_cast %reduce_sum3A_5 : vector<1xf32> to vector<1x1x1xf32>
    %reduce_sum3A_7 = vector.extract %reduce_sum3A_6[0, 0, 0] : f32 from vector<1x1x1xf32>
    %get3A_8 = arith.constant 1 : index
    %get3A_9 = arith.constant 2048 : index
    %get3A_10 = arith.constant 0 : index
    %get3A_11 = vector.load %arg1[%get3A_8, %get3A_9, %get3A_10] : memref<4x2056x256xf32, #tpu.memory_space<vmem>>, vector<1x8x256xf32>
    %get3A_12 = vector.shape_cast %get3A_11 : vector<1x8x256xf32> to vector<8x256xf32>
    %reduce_sum3A_13 = vector.shape_cast %get3A_12 : vector<8x256xf32> to vector<1x8x256xf32>
    %reduce_sum3A_14 = arith.constant dense<0.000000e+00> : vector<1xf32>
    %reduce_sum3A_15 = vector.multi_reduction <add>, %reduce_sum3A_13, %reduce_sum3A_14 [1, 2] : vector<1x8x256xf32> to vector<1xf32>
    %reduce_sum3A_16 = vector.shape_cast %reduce_sum3A_15 : vector<1xf32> to vector<1x1x1xf32>
    %reduce_sum3A_17 = vector.extract %reduce_sum3A_16[0, 0, 0] : f32 from vector<1x1x1xf32>
    %get3A_18 = arith.constant 2 : index
    %get3A_19 = arith.constant 2048 : index
    %get3A_20 = arith.constant 0 : index
    %get3A_21 = vector.load %arg1[%get3A_18, %get3A_19, %get3A_20] : memref<4x2056x256xf32, #tpu.memory_space<vmem>>, vector<1x8x256xf32>
    %get3A_22 = vector.shape_cast %get3A_21 : vector<1x8x256xf32> to vector<8x256xf32>
    %reduce_sum3A_23 = vector.shape_cast %get3A_22 : vector<8x256xf32> to vector<1x8x256xf32>
    %reduce_sum3A_24 = arith.constant dense<0.000000e+00> : vector<1xf32>
    %reduce_sum3A_25 = vector.multi_reduction <add>, %reduce_sum3A_23, %reduce_sum3A_24 [1, 2] : vector<1x8x256xf32> to vector<1xf32>
    %reduce_sum3A_26 = vector.shape_cast %reduce_sum3A_25 : vector<1xf32> to vector<1x1x1xf32>
    %reduce_sum3A_27 = vector.extract %reduce_sum3A_26[0, 0, 0] : f32 from vector<1x1x1xf32>
    %get3A_28 = arith.constant 3 : index
    %get3A_29 = arith.constant 2048 : index
    %get3A_30 = arith.constant 0 : index
    %get3A_31 = vector.load %arg1[%get3A_28, %get3A_29, %get3A_30] : memref<4x2056x256xf32, #tpu.memory_space<vmem>>, vector<1x8x256xf32>
    %get3A_32 = vector.shape_cast %get3A_31 : vector<1x8x256xf32> to vector<8x256xf32>
    %reduce_sum3A_33 = vector.shape_cast %get3A_32 : vector<8x256xf32> to vector<1x8x256xf32>
    %reduce_sum3A_34 = arith.constant dense<0.000000e+00> : vector<1xf32>
    %reduce_sum3A_35 = vector.multi_reduction <add>, %reduce_sum3A_33, %reduce_sum3A_34 [1, 2] : vector<1x8x256xf32> to vector<1xf32>
    %reduce_sum3A_36 = vector.shape_cast %reduce_sum3A_35 : vector<1xf32> to vector<1x1x1xf32>
    %reduce_sum3A_37 = vector.extract %reduce_sum3A_36[0, 0, 0] : f32 from vector<1x1x1xf32>
    %get3A_38 = arith.constant 0 : index
    %get3A_39 = arith.constant 0 : index
    %get3A_40 = arith.constant 0 : index
    %get3A_41 = vector.load %arg1[%get3A_38, %get3A_39, %get3A_40] : memref<4x2056x256xf32, #tpu.memory_space<vmem>>, vector<1x512x256xf32>
    %get3A_42 = vector.shape_cast %get3A_41 : vector<1x512x256xf32> to vector<512x256xf32>
    %convert_element_type3A = arith.truncf %get3A_42 : vector<512x256xf32> to vector<512x256xbf16>
    %get3A_43 = arith.constant 0 : index
    %get3A_44 = arith.constant 0 : index
    %get3A_45 = vector.load %arg2[%get3A_43, %get3A_44] : memref<256x1024xbf16, #tpu.memory_space<vmem>>, vector<256x1024xbf16>
    %dot_general3A = arith.constant dense<0.000000e+00> : vector<512x1024xf32>
    %dot_general3A_46 = tpu.matmul %convert_element_type3A, %get3A_45, %dot_general3A {dimension_numbers = #tpu.dot_dimension_numbers<[1], [0], [0], [1], [0, 0, 1, 1], [], []>, transpose_lhs_hint = false} : vector<512x256xbf16>, vector<256x1024xbf16>, vector<512x1024xf32> -> vector<512x1024xf32>
    %get3A_47 = arith.constant 0 : index
    %get3A_48 = arith.constant 0 : index
    %get3A_49 = vector.load %arg3[%get3A_47, %get3A_48] : memref<1x1024xf32, #tpu.memory_space<vmem>>, vector<1x1024xf32>
    %add3A = vector.broadcast %get3A_49 : vector<1x1024xf32> to vector<512x1024xf32>
    %add3A_50 = arith.addf %dot_general3A_46, %add3A : vector<512x1024xf32>
    %slice3A = vector.extract_strided_slice %add3A_50 {offsets = [0, 0], sizes = [512, 512], strides = [1, 1]} : vector<512x1024xf32> to vector<512x512xf32>
    %slice3A_51 = vector.extract_strided_slice %add3A_50 {offsets = [0, 512], sizes = [512, 512], strides = [1, 1]} : vector<512x1024xf32> to vector<512x512xf32>
    %mul3A = arith.mulf %slice3A, %slice3A_51 : vector<512x512xf32>
    %convert_element_type3A_52 = arith.truncf %mul3A : vector<512x512xf32> to vector<512x512xbf16>
    %get3A_53 = arith.constant 0 : index
    %get3A_54 = arith.constant 0 : index
    %get3A_55 = arith.constant 0 : index
    %get3A_56 = vector.load %arg6[%get3A_53, %get3A_54, %get3A_55] : memref<4x512x32xbf16, #tpu.memory_space<vmem>>, vector<1x512x32xbf16>
    %get3A_57 = vector.shape_cast %get3A_56 : vector<1x512x32xbf16> to vector<512x32xbf16>
    %dot_general3A_58 = arith.constant dense<0.000000e+00> : vector<512x32xf32>
    %dot_general3A_59 = tpu.matmul %convert_element_type3A_52, %get3A_57, %dot_general3A_58 {dimension_numbers = #tpu.dot_dimension_numbers<[1], [0], [0], [1], [0, 0, 1, 1], [], []>, transpose_lhs_hint = false} : vector<512x512xbf16>, vector<512x32xbf16>, vector<512x32xf32> -> vector<512x32xf32>
    %get3A_60 = arith.constant 1 : index
    %get3A_61 = arith.constant 0 : index
    %get3A_62 = arith.constant 0 : index
    %get3A_63 = vector.load %arg1[%get3A_60, %get3A_61, %get3A_62] : memref<4x2056x256xf32, #tpu.memory_space<vmem>>, vector<1x512x256xf32>
    %get3A_64 = vector.shape_cast %get3A_63 : vector<1x512x256xf32> to vector<512x256xf32>
    %convert_element_type3A_65 = arith.truncf %get3A_64 : vector<512x256xf32> to vector<512x256xbf16>
    %get3A_66 = arith.constant 0 : index
    %get3A_67 = arith.constant 0 : index
    %get3A_68 = vector.load %arg2[%get3A_66, %get3A_67] : memref<256x1024xbf16, #tpu.memory_space<vmem>>, vector<256x1024xbf16>
    %dot_general3A_69 = arith.constant dense<0.000000e+00> : vector<512x1024xf32>
    %dot_general3A_70 = tpu.matmul %convert_element_type3A_65, %get3A_68, %dot_general3A_69 {dimension_numbers = #tpu.dot_dimension_numbers<[1], [0], [0], [1], [0, 0, 1, 1], [], []>, transpose_lhs_hint = false} : vector<512x256xbf16>, vector<256x1024xbf16>, vector<512x1024xf32> -> vector<512x1024xf32>
    %get3A_71 = arith.constant 0 : index
    %get3A_72 = arith.constant 0 : index
    %get3A_73 = vector.load %arg3[%get3A_71, %get3A_72] : memref<1x1024xf32, #tpu.memory_space<vmem>>, vector<1x1024xf32>
    %add3A_74 = vector.broadcast %get3A_73 : vector<1x1024xf32> to vector<512x1024xf32>
    %add3A_75 = arith.addf %dot_general3A_70, %add3A_74 : vector<512x1024xf32>
    %slice3A_76 = vector.extract_strided_slice %add3A_75 {offsets = [0, 0], sizes = [512, 512], strides = [1, 1]} : vector<512x1024xf32> to vector<512x512xf32>
    %slice3A_77 = vector.extract_strided_slice %add3A_75 {offsets = [0, 512], sizes = [512, 512], strides = [1, 1]} : vector<512x1024xf32> to vector<512x512xf32>
    %mul3A_78 = arith.mulf %slice3A_76, %slice3A_77 : vector<512x512xf32>
    %convert_element_type3A_79 = arith.truncf %mul3A_78 : vector<512x512xf32> to vector<512x512xbf16>
    %get3A_80 = arith.constant 1 : index
    %get3A_81 = arith.constant 0 : index
    %get3A_82 = arith.constant 0 : index
    %get3A_83 = vector.load %arg6[%get3A_80, %get3A_81, %get3A_82] : memref<4x512x32xbf16, #tpu.memory_space<vmem>>, vector<1x512x32xbf16>
    %get3A_84 = vector.shape_cast %get3A_83 : vector<1x512x32xbf16> to vector<512x32xbf16>
    %dot_general3A_85 = arith.constant dense<0.000000e+00> : vector<512x32xf32>
    %dot_general3A_86 = tpu.matmul %convert_element_type3A_79, %get3A_84, %dot_general3A_85 {dimension_numbers = #tpu.dot_dimension_numbers<[1], [0], [0], [1], [0, 0, 1, 1], [], []>, transpose_lhs_hint = false} : vector<512x512xbf16>, vector<512x32xbf16>, vector<512x32xf32> -> vector<512x32xf32>
    %add3A_87 = arith.addf %dot_general3A_59, %dot_general3A_86 : vector<512x32xf32>
    %get3A_88 = arith.constant 2 : index
    %get3A_89 = arith.constant 0 : index
    %get3A_90 = arith.constant 0 : index
    %get3A_91 = vector.load %arg1[%get3A_88, %get3A_89, %get3A_90] : memref<4x2056x256xf32, #tpu.memory_space<vmem>>, vector<1x512x256xf32>
    %get3A_92 = vector.shape_cast %get3A_91 : vector<1x512x256xf32> to vector<512x256xf32>
    %convert_element_type3A_93 = arith.truncf %get3A_92 : vector<512x256xf32> to vector<512x256xbf16>
    %get3A_94 = arith.constant 0 : index
    %get3A_95 = arith.constant 0 : index
    %get3A_96 = vector.load %arg2[%get3A_94, %get3A_95] : memref<256x1024xbf16, #tpu.memory_space<vmem>>, vector<256x1024xbf16>
    %dot_general3A_97 = arith.constant dense<0.000000e+00> : vector<512x1024xf32>
    %dot_general3A_98 = tpu.matmul %convert_element_type3A_93, %get3A_96, %dot_general3A_97 {dimension_numbers = #tpu.dot_dimension_numbers<[1], [0], [0], [1], [0, 0, 1, 1], [], []>, transpose_lhs_hint = false} : vector<512x256xbf16>, vector<256x1024xbf16>, vector<512x1024xf32> -> vector<512x1024xf32>
    %get3A_99 = arith.constant 0 : index
    %get3A_100 = arith.constant 0 : index
    %get3A_101 = vector.load %arg3[%get3A_99, %get3A_100] : memref<1x1024xf32, #tpu.memory_space<vmem>>, vector<1x1024xf32>
    %add3A_102 = vector.broadcast %get3A_101 : vector<1x1024xf32> to vector<512x1024xf32>
    %add3A_103 = arith.addf %dot_general3A_98, %add3A_102 : vector<512x1024xf32>
    %slice3A_104 = vector.extract_strided_slice %add3A_103 {offsets = [0, 0], sizes = [512, 512], strides = [1, 1]} : vector<512x1024xf32> to vector<512x512xf32>
    %slice3A_105 = vector.extract_strided_slice %add3A_103 {offsets = [0, 512], sizes = [512, 512], strides = [1, 1]} : vector<512x1024xf32> to vector<512x512xf32>
    %mul3A_106 = arith.mulf %slice3A_104, %slice3A_105 : vector<512x512xf32>
    %convert_element_type3A_107 = arith.truncf %mul3A_106 : vector<512x512xf32> to vector<512x512xbf16>
    %get3A_108 = arith.constant 2 : index
    %get3A_109 = arith.constant 0 : index
    %get3A_110 = arith.constant 0 : index
    %get3A_111 = vector.load %arg6[%get3A_108, %get3A_109, %get3A_110] : memref<4x512x32xbf16, #tpu.memory_space<vmem>>, vector<1x512x32xbf16>
    %get3A_112 = vector.shape_cast %get3A_111 : vector<1x512x32xbf16> to vector<512x32xbf16>
    %dot_general3A_113 = arith.constant dense<0.000000e+00> : vector<512x32xf32>
    %dot_general3A_114 = tpu.matmul %convert_element_type3A_107, %get3A_112, %dot_general3A_113 {dimension_numbers = #tpu.dot_dimension_numbers<[1], [0], [0], [1], [0, 0, 1, 1], [], []>, transpose_lhs_hint = false} : vector<512x512xbf16>, vector<512x32xbf16>, vector<512x32xf32> -> vector<512x32xf32>
    %add3A_115 = arith.addf %add3A_87, %dot_general3A_114 : vector<512x32xf32>
    %get3A_116 = arith.constant 3 : index
    %get3A_117 = arith.constant 0 : index
    %get3A_118 = arith.constant 0 : index
    %get3A_119 = vector.load %arg1[%get3A_116, %get3A_117, %get3A_118] : memref<4x2056x256xf32, #tpu.memory_space<vmem>>, vector<1x512x256xf32>
    %get3A_120 = vector.shape_cast %get3A_119 : vector<1x512x256xf32> to vector<512x256xf32>
    %convert_element_type3A_121 = arith.truncf %get3A_120 : vector<512x256xf32> to vector<512x256xbf16>
    %get3A_122 = arith.constant 0 : index
    %get3A_123 = arith.constant 0 : index
    %get3A_124 = vector.load %arg2[%get3A_122, %get3A_123] : memref<256x1024xbf16, #tpu.memory_space<vmem>>, vector<256x1024xbf16>
    %dot_general3A_125 = arith.constant dense<0.000000e+00> : vector<512x1024xf32>
    %dot_general3A_126 = tpu.matmul %convert_element_type3A_121, %get3A_124, %dot_general3A_125 {dimension_numbers = #tpu.dot_dimension_numbers<[1], [0], [0], [1], [0, 0, 1, 1], [], []>, transpose_lhs_hint = false} : vector<512x256xbf16>, vector<256x1024xbf16>, vector<512x1024xf32> -> vector<512x1024xf32>
    %get3A_127 = arith.constant 0 : index
    %get3A_128 = arith.constant 0 : index
    %get3A_129 = vector.load %arg3[%get3A_127, %get3A_128] : memref<1x1024xf32, #tpu.memory_space<vmem>>, vector<1x1024xf32>
    %add3A_130 = vector.broadcast %get3A_129 : vector<1x1024xf32> to vector<512x1024xf32>
    %add3A_131 = arith.addf %dot_general3A_126, %add3A_130 : vector<512x1024xf32>
    %slice3A_132 = vector.extract_strided_slice %add3A_131 {offsets = [0, 0], sizes = [512, 512], strides = [1, 1]} : vector<512x1024xf32> to vector<512x512xf32>
    %slice3A_133 = vector.extract_strided_slice %add3A_131 {offsets = [0, 512], sizes = [512, 512], strides = [1, 1]} : vector<512x1024xf32> to vector<512x512xf32>
    %mul3A_134 = arith.mulf %slice3A_132, %slice3A_133 : vector<512x512xf32>
    %convert_element_type3A_135 = arith.truncf %mul3A_134 : vector<512x512xf32> to vector<512x512xbf16>
    %get3A_136 = arith.constant 3 : index
    %get3A_137 = arith.constant 0 : index
    %get3A_138 = arith.constant 0 : index
    %get3A_139 = vector.load %arg6[%get3A_136, %get3A_137, %get3A_138] : memref<4x512x32xbf16, #tpu.memory_space<vmem>>, vector<1x512x32xbf16>
    %get3A_140 = vector.shape_cast %get3A_139 : vector<1x512x32xbf16> to vector<512x32xbf16>
    %dot_general3A_141 = arith.constant dense<0.000000e+00> : vector<512x32xf32>
    %dot_general3A_142 = tpu.matmul %convert_element_type3A_135, %get3A_140, %dot_general3A_141 {dimension_numbers = #tpu.dot_dimension_numbers<[1], [0], [0], [1], [0, 0, 1, 1], [], []>, transpose_lhs_hint = false} : vector<512x512xbf16>, vector<512x32xbf16>, vector<512x32xf32> -> vector<512x32xf32>
    %add3A_143 = arith.addf %add3A_115, %dot_general3A_142 : vector<512x32xf32>
    %swap3A = arith.constant 0 : index
    %swap3A_144 = arith.constant 0 : index
    %swap3A_145 = vector.load %arg9[%swap3A, %swap3A_144] : memref<2048x32xf32, #tpu.memory_space<vmem>>, vector<512x32xf32>
    tpu.vector_store %arg9[%swap3A, %swap3A_144], %add3A_143 {strides = array<i32>} : memref<2048x32xf32, #tpu.memory_space<vmem>>, vector<512x32xf32>,
    %get3A_146 = arith.constant 0 : index
    %get3A_147 = arith.constant 512 : index
    %get3A_148 = arith.constant 0 : index
    %get3A_149 = vector.load %arg1[%get3A_146, %get3A_147, %get3A_148] : memref<4x2056x256xf32, #tpu.memory_space<vmem>>, vector<1x512x256xf32>
    %get3A_150 = vector.shape_cast %get3A_149 : vector<1x512x256xf32> to vector<512x256xf32>
    %convert_element_type3A_151 = arith.truncf %get3A_150 : vector<512x256xf32> to vector<512x256xbf16>
    %get3A_152 = arith.constant 0 : index
    %get3A_153 = arith.constant 0 : index
    %get3A_154 = vector.load %arg2[%get3A_152, %get3A_153] : memref<256x1024xbf16, #tpu.memory_space<vmem>>, vector<256x1024xbf16>
    %dot_general3A_155 = arith.constant dense<0.000000e+00> : vector<512x1024xf32>
    %dot_general3A_156 = tpu.matmul %convert_element_type3A_151, %get3A_154, %dot_general3A_155 {dimension_numbers = #tpu.dot_dimension_numbers<[1], [0], [0], [1], [0, 0, 1, 1], [], []>, transpose_lhs_hint = false} : vector<512x256xbf16>, vector<256x1024xbf16>, vector<512x1024xf32> -> vector<512x1024xf32>
    %get3A_157 = arith.constant 0 : index
    %get3A_158 = arith.constant 0 : index
    %get3A_159 = vector.load %arg3[%get3A_157, %get3A_158] : memref<1x1024xf32, #tpu.memory_space<vmem>>, vector<1x1024xf32>
    %add3A_160 = vector.broadcast %get3A_159 : vector<1x1024xf32> to vector<512x1024xf32>
    %add3A_161 = arith.addf %dot_general3A_156, %add3A_160 : vector<512x1024xf32>
    %slice3A_162 = vector.extract_strided_slice %add3A_161 {offsets = [0, 0], sizes = [512, 512], strides = [1, 1]} : vector<512x1024xf32> to vector<512x512xf32>
    %slice3A_163 = vector.extract_strided_slice %add3A_161 {offsets = [0, 512], sizes = [512, 512], strides = [1, 1]} : vector<512x1024xf32> to vector<512x512xf32>
    %mul3A_164 = arith.mulf %slice3A_162, %slice3A_163 : vector<512x512xf32>
    %convert_element_type3A_165 = arith.truncf %mul3A_164 : vector<512x512xf32> to vector<512x512xbf16>
    %get3A_166 = arith.constant 0 : index
    %get3A_167 = arith.constant 0 : index
    %get3A_168 = arith.constant 0 : index
    %get3A_169 = vector.load %arg6[%get3A_166, %get3A_167, %get3A_168] : memref<4x512x32xbf16, #tpu.memory_space<vmem>>, vector<1x512x32xbf16>
    %get3A_170 = vector.shape_cast %get3A_169 : vector<1x512x32xbf16> to vector<512x32xbf16>
    %dot_general3A_171 = arith.constant dense<0.000000e+00> : vector<512x32xf32>
    %dot_general3A_172 = tpu.matmul %convert_element_type3A_165, %get3A_170, %dot_general3A_171 {dimension_numbers = #tpu.dot_dimension_numbers<[1], [0], [0], [1], [0, 0, 1, 1], [], []>, transpose_lhs_hint = false} : vector<512x512xbf16>, vector<512x32xbf16>, vector<512x32xf32> -> vector<512x32xf32>
    %get3A_173 = arith.constant 1 : index
    %get3A_174 = arith.constant 512 : index
    %get3A_175 = arith.constant 0 : index
    %get3A_176 = vector.load %arg1[%get3A_173, %get3A_174, %get3A_175] : memref<4x2056x256xf32, #tpu.memory_space<vmem>>, vector<1x512x256xf32>
    %get3A_177 = vector.shape_cast %get3A_176 : vector<1x512x256xf32> to vector<512x256xf32>
    %convert_element_type3A_178 = arith.truncf %get3A_177 : vector<512x256xf32> to vector<512x256xbf16>
    %get3A_179 = arith.constant 0 : index
    %get3A_180 = arith.constant 0 : index
    %get3A_181 = vector.load %arg2[%get3A_179, %get3A_180] : memref<256x1024xbf16, #tpu.memory_space<vmem>>, vector<256x1024xbf16>
    %dot_general3A_182 = arith.constant dense<0.000000e+00> : vector<512x1024xf32>
    %dot_general3A_183 = tpu.matmul %convert_element_type3A_178, %get3A_181, %dot_general3A_182 {dimension_numbers = #tpu.dot_dimension_numbers<[1], [0], [0], [1], [0, 0, 1, 1], [], []>, transpose_lhs_hint = false} : vector<512x256xbf16>, vector<256x1024xbf16>, vector<512x1024xf32> -> vector<512x1024xf32>
    %get3A_184 = arith.constant 0 : index
    %get3A_185 = arith.constant 0 : index
    %get3A_186 = vector.load %arg3[%get3A_184, %get3A_185] : memref<1x1024xf32, #tpu.memory_space<vmem>>, vector<1x1024xf32>
    %add3A_187 = vector.broadcast %get3A_186 : vector<1x1024xf32> to vector<512x1024xf32>
    %add3A_188 = arith.addf %dot_general3A_183, %add3A_187 : vector<512x1024xf32>
    %slice3A_189 = vector.extract_strided_slice %add3A_188 {offsets = [0, 0], sizes = [512, 512], strides = [1, 1]} : vector<512x1024xf32> to vector<512x512xf32>
    %slice3A_190 = vector.extract_strided_slice %add3A_188 {offsets = [0, 512], sizes = [512, 512], strides = [1, 1]} : vector<512x1024xf32> to vector<512x512xf32>
    %mul3A_191 = arith.mulf %slice3A_189, %slice3A_190 : vector<512x512xf32>
    %convert_element_type3A_192 = arith.truncf %mul3A_191 : vector<512x512xf32> to vector<512x512xbf16>
    %get3A_193 = arith.constant 1 : index
    %get3A_194 = arith.constant 0 : index
    %get3A_195 = arith.constant 0 : index
    %get3A_196 = vector.load %arg6[%get3A_193, %get3A_194, %get3A_195] : memref<4x512x32xbf16, #tpu.memory_space<vmem>>, vector<1x512x32xbf16>
    %get3A_197 = vector.shape_cast %get3A_196 : vector<1x512x32xbf16> to vector<512x32xbf16>
    %dot_general3A_198 = arith.constant dense<0.000000e+00> : vector<512x32xf32>
    %dot_general3A_199 = tpu.matmul %convert_element_type3A_192, %get3A_197, %dot_general3A_198 {dimension_numbers = #tpu.dot_dimension_numbers<[1], [0], [0], [1], [0, 0, 1, 1], [], []>, transpose_lhs_hint = false} : vector<512x512xbf16>, vector<512x32xbf16>, vector<512x32xf32> -> vector<512x32xf32>
    %add3A_200 = arith.addf %dot_general3A_172, %dot_general3A_199 : vector<512x32xf32>
    %get3A_201 = arith.constant 2 : index
    %get3A_202 = arith.constant 512 : index
    %get3A_203 = arith.constant 0 : index
    %get3A_204 = vector.load %arg1[%get3A_201, %get3A_202, %get3A_203] : memref<4x2056x256xf32, #tpu.memory_space<vmem>>, vector<1x512x256xf32>
    %get3A_205 = vector.shape_cast %get3A_204 : vector<1x512x256xf32> to vector<512x256xf32>
    %convert_element_type3A_206 = arith.truncf %get3A_205 : vector<512x256xf32> to vector<512x256xbf16>
    %get3A_207 = arith.constant 0 : index
    %get3A_208 = arith.constant 0 : index
    %get3A_209 = vector.load %arg2[%get3A_207, %get3A_208] : memref<256x1024xbf16, #tpu.memory_space<vmem>>, vector<256x1024xbf16>
    %dot_general3A_210 = arith.constant dense<0.000000e+00> : vector<512x1024xf32>
    %dot_general3A_211 = tpu.matmul %convert_element_type3A_206, %get3A_209, %dot_general3A_210 {dimension_numbers = #tpu.dot_dimension_numbers<[1], [0], [0], [1], [0, 0, 1, 1], [], []>, transpose_lhs_hint = false} : vector<512x256xbf16>, vector<256x1024xbf16>, vector<512x1024xf32> -> vector<512x1024xf32>
    %get3A_212 = arith.constant 0 : index
    %get3A_213 = arith.constant 0 : index
    %get3A_214 = vector.load %arg3[%get3A_212, %get3A_213] : memref<1x1024xf32, #tpu.memory_space<vmem>>, vector<1x1024xf32>
    %add3A_215 = vector.broadcast %get3A_214 : vector<1x1024xf32> to vector<512x1024xf32>
    %add3A_216 = arith.addf %dot_general3A_211, %add3A_215 : vector<512x1024xf32>
    %slice3A_217 = vector.extract_strided_slice %add3A_216 {offsets = [0, 0], sizes = [512, 512], strides = [1, 1]} : vector<512x1024xf32> to vector<512x512xf32>
    %slice3A_218 = vector.extract_strided_slice %add3A_216 {offsets = [0, 512], sizes = [512, 512], strides = [1, 1]} : vector<512x1024xf32> to vector<512x512xf32>
    %mul3A_219 = arith.mulf %slice3A_217, %slice3A_218 : vector<512x512xf32>
    %convert_element_type3A_220 = arith.truncf %mul3A_219 : vector<512x512xf32> to vector<512x512xbf16>
    %get3A_221 = arith.constant 2 : index
    %get3A_222 = arith.constant 0 : index
    %get3A_223 = arith.constant 0 : index
    %get3A_224 = vector.load %arg6[%get3A_221, %get3A_222, %get3A_223] : memref<4x512x32xbf16, #tpu.memory_space<vmem>>, vector<1x512x32xbf16>
    %get3A_225 = vector.shape_cast %get3A_224 : vector<1x512x32xbf16> to vector<512x32xbf16>
    %dot_general3A_226 = arith.constant dense<0.000000e+00> : vector<512x32xf32>
    %dot_general3A_227 = tpu.matmul %convert_element_type3A_220, %get3A_225, %dot_general3A_226 {dimension_numbers = #tpu.dot_dimension_numbers<[1], [0], [0], [1], [0, 0, 1, 1], [], []>, transpose_lhs_hint = false} : vector<512x512xbf16>, vector<512x32xbf16>, vector<512x32xf32> -> vector<512x32xf32>
    %add3A_228 = arith.addf %add3A_200, %dot_general3A_227 : vector<512x32xf32>
    %get3A_229 = arith.constant 3 : index
    %get3A_230 = arith.constant 512 : index
    %get3A_231 = arith.constant 0 : index
    %get3A_232 = vector.load %arg1[%get3A_229, %get3A_230, %get3A_231] : memref<4x2056x256xf32, #tpu.memory_space<vmem>>, vector<1x512x256xf32>
    %get3A_233 = vector.shape_cast %get3A_232 : vector<1x512x256xf32> to vector<512x256xf32>
    %convert_element_type3A_234 = arith.truncf %get3A_233 : vector<512x256xf32> to vector<512x256xbf16>
    %get3A_235 = arith.constant 0 : index
    %get3A_236 = arith.constant 0 : index
    %get3A_237 = vector.load %arg2[%get3A_235, %get3A_236] : memref<256x1024xbf16, #tpu.memory_space<vmem>>, vector<256x1024xbf16>
    %dot_general3A_238 = arith.constant dense<0.000000e+00> : vector<512x1024xf32>
    %dot_general3A_239 = tpu.matmul %convert_element_type3A_234, %get3A_237, %dot_general3A_238 {dimension_numbers = #tpu.dot_dimension_numbers<[1], [0], [0], [1], [0, 0, 1, 1], [], []>, transpose_lhs_hint = false} : vector<512x256xbf16>, vector<256x1024xbf16>, vector<512x1024xf32> -> vector<512x1024xf32>
    %get3A_240 = arith.constant 0 : index
    %get3A_241 = arith.constant 0 : index
    %get3A_242 = vector.load %arg3[%get3A_240, %get3A_241] : memref<1x1024xf32, #tpu.memory_space<vmem>>, vector<1x1024xf32>
    %add3A_243 = vector.broadcast %get3A_242 : vector<1x1024xf32> to vector<512x1024xf32>
    %add3A_244 = arith.addf %dot_general3A_239, %add3A_243 : vector<512x1024xf32>
    %slice3A_245 = vector.extract_strided_slice %add3A_244 {offsets = [0, 0], sizes = [512, 512], strides = [1, 1]} : vector<512x1024xf32> to vector<512x512xf32>
    %slice3A_246 = vector.extract_strided_slice %add3A_244 {offsets = [0, 512], sizes = [512, 512], strides = [1, 1]} : vector<512x1024xf32> to vector<512x512xf32>
    %mul3A_247 = arith.mulf %slice3A_245, %slice3A_246 : vector<512x512xf32>
    %convert_element_type3A_248 = arith.truncf %mul3A_247 : vector<512x512xf32> to vector<512x512xbf16>
    %get3A_249 = arith.constant 3 : index
    %get3A_250 = arith.constant 0 : index
    %get3A_251 = arith.constant 0 : index
    %get3A_252 = vector.load %arg6[%get3A_249, %get3A_250, %get3A_251] : memref<4x512x32xbf16, #tpu.memory_space<vmem>>, vector<1x512x32xbf16>
    %get3A_253 = vector.shape_cast %get3A_252 : vector<1x512x32xbf16> to vector<512x32xbf16>
    %dot_general3A_254 = arith.constant dense<0.000000e+00> : vector<512x32xf32>
    %dot_general3A_255 = tpu.matmul %convert_element_type3A_248, %get3A_253, %dot_general3A_254 {dimension_numbers = #tpu.dot_dimension_numbers<[1], [0], [0], [1], [0, 0, 1, 1], [], []>, transpose_lhs_hint = false} : vector<512x512xbf16>, vector<512x32xbf16>, vector<512x32xf32> -> vector<512x32xf32>
    %add3A_256 = arith.addf %add3A_228, %dot_general3A_255 : vector<512x32xf32>
    %swap3A_257 = arith.constant 512 : index
    %swap3A_258 = arith.constant 0 : index
    %swap3A_259 = vector.load %arg9[%swap3A_257, %swap3A_258] : memref<2048x32xf32, #tpu.memory_space<vmem>>, vector<512x32xf32>
    tpu.vector_store %arg9[%swap3A_257, %swap3A_258], %add3A_256 {strides = array<i32>} : memref<2048x32xf32, #tpu.memory_space<vmem>>, vector<512x32xf32>,
    %get3A_260 = arith.constant 0 : index
    %get3A_261 = arith.constant 1024 : index
    %get3A_262 = arith.constant 0 : index
    %get3A_263 = vector.load %arg1[%get3A_260, %get3A_261, %get3A_262] : memref<4x2056x256xf32, #tpu.memory_space<vmem>>, vector<1x512x256xf32>
    %get3A_264 = vector.shape_cast %get3A_263 : vector<1x512x256xf32> to vector<512x256xf32>
    %convert_element_type3A_265 = arith.truncf %get3A_264 : vector<512x256xf32> to vector<512x256xbf16>
    %get3A_266 = arith.constant 0 : index
    %get3A_267 = arith.constant 0 : index
    %get3A_268 = vector.load %arg2[%get3A_266, %get3A_267] : memref<256x1024xbf16, #tpu.memory_space<vmem>>, vector<256x1024xbf16>
    %dot_general3A_269 = arith.constant dense<0.000000e+00> : vector<512x1024xf32>
    %dot_general3A_270 = tpu.matmul %convert_element_type3A_265, %get3A_268, %dot_general3A_269 {dimension_numbers = #tpu.dot_dimension_numbers<[1], [0], [0], [1], [0, 0, 1, 1], [], []>, transpose_lhs_hint = false} : vector<512x256xbf16>, vector<256x1024xbf16>, vector<512x1024xf32> -> vector<512x1024xf32>
    %get3A_271 = arith.constant 0 : index
    %get3A_272 = arith.constant 0 : index
    %get3A_273 = vector.load %arg3[%get3A_271, %get3A_272] : memref<1x1024xf32, #tpu.memory_space<vmem>>, vector<1x1024xf32>
    %add3A_274 = vector.broadcast %get3A_273 : vector<1x1024xf32> to vector<512x1024xf32>
    %add3A_275 = arith.addf %dot_general3A_270, %add3A_274 : vector<512x1024xf32>
    %slice3A_276 = vector.extract_strided_slice %add3A_275 {offsets = [0, 0], sizes = [512, 512], strides = [1, 1]} : vector<512x1024xf32> to vector<512x512xf32>
    %slice3A_277 = vector.extract_strided_slice %add3A_275 {offsets = [0, 512], sizes = [512, 512], strides = [1, 1]} : vector<512x1024xf32> to vector<512x512xf32>
    %mul3A_278 = arith.mulf %slice3A_276, %slice3A_277 : vector<512x512xf32>
    %convert_element_type3A_279 = arith.truncf %mul3A_278 : vector<512x512xf32> to vector<512x512xbf16>
    %get3A_280 = arith.constant 0 : index
    %get3A_281 = arith.constant 0 : index
    %get3A_282 = arith.constant 0 : index
    %get3A_283 = vector.load %arg6[%get3A_280, %get3A_281, %get3A_282] : memref<4x512x32xbf16, #tpu.memory_space<vmem>>, vector<1x512x32xbf16>
    %get3A_284 = vector.shape_cast %get3A_283 : vector<1x512x32xbf16> to vector<512x32xbf16>
    %dot_general3A_285 = arith.constant dense<0.000000e+00> : vector<512x32xf32>
    %dot_general3A_286 = tpu.matmul %convert_element_type3A_279, %get3A_284, %dot_general3A_285 {dimension_numbers = #tpu.dot_dimension_numbers<[1], [0], [0], [1], [0, 0, 1, 1], [], []>, transpose_lhs_hint = false} : vector<512x512xbf16>, vector<512x32xbf16>, vector<512x32xf32> -> vector<512x32xf32>
    %get3A_287 = arith.constant 1 : index
    %get3A_288 = arith.constant 1024 : index
    %get3A_289 = arith.constant 0 : index
    %get3A_290 = vector.load %arg1[%get3A_287, %get3A_288, %get3A_289] : memref<4x2056x256xf32, #tpu.memory_space<vmem>>, vector<1x512x256xf32>
    %get3A_291 = vector.shape_cast %get3A_290 : vector<1x512x256xf32> to vector<512x256xf32>
    %convert_element_type3A_292 = arith.truncf %get3A_291 : vector<512x256xf32> to vector<512x256xbf16>
    %get3A_293 = arith.constant 0 : index
    %get3A_294 = arith.constant 0 : index
    %get3A_295 = vector.load %arg2[%get3A_293, %get3A_294] : memref<256x1024xbf16, #tpu.memory_space<vmem>>, vector<256x1024xbf16>
    %dot_general3A_296 = arith.constant dense<0.000000e+00> : vector<512x1024xf32>
    %dot_general3A_297 = tpu.matmul %convert_element_type3A_292, %get3A_295, %dot_general3A_296 {dimension_numbers = #tpu.dot_dimension_numbers<[1], [0], [0], [1], [0, 0, 1, 1], [], []>, transpose_lhs_hint = false} : vector<512x256xbf16>, vector<256x1024xbf16>, vector<512x1024xf32> -> vector<512x1024xf32>
    %get3A_298 = arith.constant 0 : index
    %get3A_299 = arith.constant 0 : index
    %get3A_300 = vector.load %arg3[%get3A_298, %get3A_299] : memref<1x1024xf32, #tpu.memory_space<vmem>>, vector<1x1024xf32>
    %add3A_301 = vector.broadcast %get3A_300 : vector<1x1024xf32> to vector<512x1024xf32>
    %add3A_302 = arith.addf %dot_general3A_297, %add3A_301 : vector<512x1024xf32>
    %slice3A_303 = vector.extract_strided_slice %add3A_302 {offsets = [0, 0], sizes = [512, 512], strides = [1, 1]} : vector<512x1024xf32> to vector<512x512xf32>
    %slice3A_304 = vector.extract_strided_slice %add3A_302 {offsets = [0, 512], sizes = [512, 512], strides = [1, 1]} : vector<512x1024xf32> to vector<512x512xf32>
    %mul3A_305 = arith.mulf %slice3A_303, %slice3A_304 : vector<512x512xf32>
    %convert_element_type3A_306 = arith.truncf %mul3A_305 : vector<512x512xf32> to vector<512x512xbf16>
    %get3A_307 = arith.constant 1 : index
    %get3A_308 = arith.constant 0 : index
    %get3A_309 = arith.constant 0 : index
    %get3A_310 = vector.load %arg6[%get3A_307, %get3A_308, %get3A_309] : memref<4x512x32xbf16, #tpu.memory_space<vmem>>, vector<1x512x32xbf16>
    %get3A_311 = vector.shape_cast %get3A_310 : vector<1x512x32xbf16> to vector<512x32xbf16>
    %dot_general3A_312 = arith.constant dense<0.000000e+00> : vector<512x32xf32>
    %dot_general3A_313 = tpu.matmul %convert_element_type3A_306, %get3A_311, %dot_general3A_312 {dimension_numbers = #tpu.dot_dimension_numbers<[1], [0], [0], [1], [0, 0, 1, 1], [], []>, transpose_lhs_hint = false} : vector<512x512xbf16>, vector<512x32xbf16>, vector<512x32xf32> -> vector<512x32xf32>
    %add3A_314 = arith.addf %dot_general3A_286, %dot_general3A_313 : vector<512x32xf32>
    %get3A_315 = arith.constant 2 : index
    %get3A_316 = arith.constant 1024 : index
    %get3A_317 = arith.constant 0 : index
    %get3A_318 = vector.load %arg1[%get3A_315, %get3A_316, %get3A_317] : memref<4x2056x256xf32, #tpu.memory_space<vmem>>, vector<1x512x256xf32>
    %get3A_319 = vector.shape_cast %get3A_318 : vector<1x512x256xf32> to vector<512x256xf32>
    %convert_element_type3A_320 = arith.truncf %get3A_319 : vector<512x256xf32> to vector<512x256xbf16>
    %get3A_321 = arith.constant 0 : index
    %get3A_322 = arith.constant 0 : index
    %get3A_323 = vector.load %arg2[%get3A_321, %get3A_322] : memref<256x1024xbf16, #tpu.memory_space<vmem>>, vector<256x1024xbf16>
    %dot_general3A_324 = arith.constant dense<0.000000e+00> : vector<512x1024xf32>
    %dot_general3A_325 = tpu.matmul %convert_element_type3A_320, %get3A_323, %dot_general3A_324 {dimension_numbers = #tpu.dot_dimension_numbers<[1], [0], [0], [1], [0, 0, 1, 1], [], []>, transpose_lhs_hint = false} : vector<512x256xbf16>, vector<256x1024xbf16>, vector<512x1024xf32> -> vector<512x1024xf32>
    %get3A_326 = arith.constant 0 : index
    %get3A_327 = arith.constant 0 : index
    %get3A_328 = vector.load %arg3[%get3A_326, %get3A_327] : memref<1x1024xf32, #tpu.memory_space<vmem>>, vector<1x1024xf32>
    %add3A_329 = vector.broadcast %get3A_328 : vector<1x1024xf32> to vector<512x1024xf32>
    %add3A_330 = arith.addf %dot_general3A_325, %add3A_329 : vector<512x1024xf32>
    %slice3A_331 = vector.extract_strided_slice %add3A_330 {offsets = [0, 0], sizes = [512, 512], strides = [1, 1]} : vector<512x1024xf32> to vector<512x512xf32>
    %slice3A_332 = vector.extract_strided_slice %add3A_330 {offsets = [0, 512], sizes = [512, 512], strides = [1, 1]} : vector<512x1024xf32> to vector<512x512xf32>
    %mul3A_333 = arith.mulf %slice3A_331, %slice3A_332 : vector<512x512xf32>
    %convert_element_type3A_334 = arith.truncf %mul3A_333 : vector<512x512xf32> to vector<512x512xbf16>
    %get3A_335 = arith.constant 2 : index
    %get3A_336 = arith.constant 0 : index
    %get3A_337 = arith.constant 0 : index
    %get3A_338 = vector.load %arg6[%get3A_335, %get3A_336, %get3A_337] : memref<4x512x32xbf16, #tpu.memory_space<vmem>>, vector<1x512x32xbf16>
    %get3A_339 = vector.shape_cast %get3A_338 : vector<1x512x32xbf16> to vector<512x32xbf16>
    %dot_general3A_340 = arith.constant dense<0.000000e+00> : vector<512x32xf32>
    %dot_general3A_341 = tpu.matmul %convert_element_type3A_334, %get3A_339, %dot_general3A_340 {dimension_numbers = #tpu.dot_dimension_numbers<[1], [0], [0], [1], [0, 0, 1, 1], [], []>, transpose_lhs_hint = false} : vector<512x512xbf16>, vector<512x32xbf16>, vector<512x32xf32> -> vector<512x32xf32>
    %add3A_342 = arith.addf %add3A_314, %dot_general3A_341 : vector<512x32xf32>
    %get3A_343 = arith.constant 3 : index
    %get3A_344 = arith.constant 1024 : index
    %get3A_345 = arith.constant 0 : index
    %get3A_346 = vector.load %arg1[%get3A_343, %get3A_344, %get3A_345] : memref<4x2056x256xf32, #tpu.memory_space<vmem>>, vector<1x512x256xf32>
    %get3A_347 = vector.shape_cast %get3A_346 : vector<1x512x256xf32> to vector<512x256xf32>
    %convert_element_type3A_348 = arith.truncf %get3A_347 : vector<512x256xf32> to vector<512x256xbf16>
    %get3A_349 = arith.constant 0 : index
    %get3A_350 = arith.constant 0 : index
    %get3A_351 = vector.load %arg2[%get3A_349, %get3A_350] : memref<256x1024xbf16, #tpu.memory_space<vmem>>, vector<256x1024xbf16>
    %dot_general3A_352 = arith.constant dense<0.000000e+00> : vector<512x1024xf32>
    %dot_general3A_353 = tpu.matmul %convert_element_type3A_348, %get3A_351, %dot_general3A_352 {dimension_numbers = #tpu.dot_dimension_numbers<[1], [0], [0], [1], [0, 0, 1, 1], [], []>, transpose_lhs_hint = false} : vector<512x256xbf16>, vector<256x1024xbf16>, vector<512x1024xf32> -> vector<512x1024xf32>
    %get3A_354 = arith.constant 0 : index
    %get3A_355 = arith.constant 0 : index
    %get3A_356 = vector.load %arg3[%get3A_354, %get3A_355] : memref<1x1024xf32, #tpu.memory_space<vmem>>, vector<1x1024xf32>
    %add3A_357 = vector.broadcast %get3A_356 : vector<1x1024xf32> to vector<512x1024xf32>
    %add3A_358 = arith.addf %dot_general3A_353, %add3A_357 : vector<512x1024xf32>
    %slice3A_359 = vector.extract_strided_slice %add3A_358 {offsets = [0, 0], sizes = [512, 512], strides = [1, 1]} : vector<512x1024xf32> to vector<512x512xf32>
    %slice3A_360 = vector.extract_strided_slice %add3A_358 {offsets = [0, 512], sizes = [512, 512], strides = [1, 1]} : vector<512x1024xf32> to vector<512x512xf32>
    %mul3A_361 = arith.mulf %slice3A_359, %slice3A_360 : vector<512x512xf32>
    %convert_element_type3A_362 = arith.truncf %mul3A_361 : vector<512x512xf32> to vector<512x512xbf16>
    %get3A_363 = arith.constant 3 : index
    %get3A_364 = arith.constant 0 : index
    %get3A_365 = arith.constant 0 : index
    %get3A_366 = vector.load %arg6[%get3A_363, %get3A_364, %get3A_365] : memref<4x512x32xbf16, #tpu.memory_space<vmem>>, vector<1x512x32xbf16>
    %get3A_367 = vector.shape_cast %get3A_366 : vector<1x512x32xbf16> to vector<512x32xbf16>
    %dot_general3A_368 = arith.constant dense<0.000000e+00> : vector<512x32xf32>
    %dot_general3A_369 = tpu.matmul %convert_element_type3A_362, %get3A_367, %dot_general3A_368 {dimension_numbers = #tpu.dot_dimension_numbers<[1], [0], [0], [1], [0, 0, 1, 1], [], []>, transpose_lhs_hint = false} : vector<512x512xbf16>, vector<512x32xbf16>, vector<512x32xf32> -> vector<512x32xf32>
    %add3A_370 = arith.addf %add3A_342, %dot_general3A_369 : vector<512x32xf32>
    %swap3A_371 = arith.constant 1024 : index
    %swap3A_372 = arith.constant 0 : index
    %swap3A_373 = vector.load %arg9[%swap3A_371, %swap3A_372] : memref<2048x32xf32, #tpu.memory_space<vmem>>, vector<512x32xf32>
    tpu.vector_store %arg9[%swap3A_371, %swap3A_372], %add3A_370 {strides = array<i32>} : memref<2048x32xf32, #tpu.memory_space<vmem>>, vector<512x32xf32>,
    %get3A_374 = arith.constant 0 : index
    %get3A_375 = arith.constant 1536 : index
    %get3A_376 = arith.constant 0 : index
    %get3A_377 = vector.load %arg1[%get3A_374, %get3A_375, %get3A_376] : memref<4x2056x256xf32, #tpu.memory_space<vmem>>, vector<1x512x256xf32>
    %get3A_378 = vector.shape_cast %get3A_377 : vector<1x512x256xf32> to vector<512x256xf32>
    %convert_element_type3A_379 = arith.truncf %get3A_378 : vector<512x256xf32> to vector<512x256xbf16>
    %get3A_380 = arith.constant 0 : index
    %get3A_381 = arith.constant 0 : index
    %get3A_382 = vector.load %arg2[%get3A_380, %get3A_381] : memref<256x1024xbf16, #tpu.memory_space<vmem>>, vector<256x1024xbf16>
    %dot_general3A_383 = arith.constant dense<0.000000e+00> : vector<512x1024xf32>
    %dot_general3A_384 = tpu.matmul %convert_element_type3A_379, %get3A_382, %dot_general3A_383 {dimension_numbers = #tpu.dot_dimension_numbers<[1], [0], [0], [1], [0, 0, 1, 1], [], []>, transpose_lhs_hint = false} : vector<512x256xbf16>, vector<256x1024xbf16>, vector<512x1024xf32> -> vector<512x1024xf32>
    %get3A_385 = arith.constant 0 : index
    %get3A_386 = arith.constant 0 : index
    %get3A_387 = vector.load %arg3[%get3A_385, %get3A_386] : memref<1x1024xf32, #tpu.memory_space<vmem>>, vector<1x1024xf32>
    %add3A_388 = vector.broadcast %get3A_387 : vector<1x1024xf32> to vector<512x1024xf32>
    %add3A_389 = arith.addf %dot_general3A_384, %add3A_388 : vector<512x1024xf32>
    %slice3A_390 = vector.extract_strided_slice %add3A_389 {offsets = [0, 0], sizes = [512, 512], strides = [1, 1]} : vector<512x1024xf32> to vector<512x512xf32>
    %slice3A_391 = vector.extract_strided_slice %add3A_389 {offsets = [0, 512], sizes = [512, 512], strides = [1, 1]} : vector<512x1024xf32> to vector<512x512xf32>
    %mul3A_392 = arith.mulf %slice3A_390, %slice3A_391 : vector<512x512xf32>
    %convert_element_type3A_393 = arith.truncf %mul3A_392 : vector<512x512xf32> to vector<512x512xbf16>
    %get3A_394 = arith.constant 0 : index
    %get3A_395 = arith.constant 0 : index
    %get3A_396 = arith.constant 0 : index
    %get3A_397 = vector.load %arg6[%get3A_394, %get3A_395, %get3A_396] : memref<4x512x32xbf16, #tpu.memory_space<vmem>>, vector<1x512x32xbf16>
    %get3A_398 = vector.shape_cast %get3A_397 : vector<1x512x32xbf16> to vector<512x32xbf16>
    %dot_general3A_399 = arith.constant dense<0.000000e+00> : vector<512x32xf32>
    %dot_general3A_400 = tpu.matmul %convert_element_type3A_393, %get3A_398, %dot_general3A_399 {dimension_numbers = #tpu.dot_dimension_numbers<[1], [0], [0], [1], [0, 0, 1, 1], [], []>, transpose_lhs_hint = false} : vector<512x512xbf16>, vector<512x32xbf16>, vector<512x32xf32> -> vector<512x32xf32>
    %get3A_401 = arith.constant 1 : index
    %get3A_402 = arith.constant 1536 : index
    %get3A_403 = arith.constant 0 : index
    %get3A_404 = vector.load %arg1[%get3A_401, %get3A_402, %get3A_403] : memref<4x2056x256xf32, #tpu.memory_space<vmem>>, vector<1x512x256xf32>
    %get3A_405 = vector.shape_cast %get3A_404 : vector<1x512x256xf32> to vector<512x256xf32>
    %convert_element_type3A_406 = arith.truncf %get3A_405 : vector<512x256xf32> to vector<512x256xbf16>
    %get3A_407 = arith.constant 0 : index
    %get3A_408 = arith.constant 0 : index
    %get3A_409 = vector.load %arg2[%get3A_407, %get3A_408] : memref<256x1024xbf16, #tpu.memory_space<vmem>>, vector<256x1024xbf16>
    %dot_general3A_410 = arith.constant dense<0.000000e+00> : vector<512x1024xf32>
    %dot_general3A_411 = tpu.matmul %convert_element_type3A_406, %get3A_409, %dot_general3A_410 {dimension_numbers = #tpu.dot_dimension_numbers<[1], [0], [0], [1], [0, 0, 1, 1], [], []>, transpose_lhs_hint = false} : vector<512x256xbf16>, vector<256x1024xbf16>, vector<512x1024xf32> -> vector<512x1024xf32>
    %get3A_412 = arith.constant 0 : index
    %get3A_413 = arith.constant 0 : index
    %get3A_414 = vector.load %arg3[%get3A_412, %get3A_413] : memref<1x1024xf32, #tpu.memory_space<vmem>>, vector<1x1024xf32>
    %add3A_415 = vector.broadcast %get3A_414 : vector<1x1024xf32> to vector<512x1024xf32>
    %add3A_416 = arith.addf %dot_general3A_411, %add3A_415 : vector<512x1024xf32>
    %slice3A_417 = vector.extract_strided_slice %add3A_416 {offsets = [0, 0], sizes = [512, 512], strides = [1, 1]} : vector<512x1024xf32> to vector<512x512xf32>
    %slice3A_418 = vector.extract_strided_slice %add3A_416 {offsets = [0, 512], sizes = [512, 512], strides = [1, 1]} : vector<512x1024xf32> to vector<512x512xf32>
    %mul3A_419 = arith.mulf %slice3A_417, %slice3A_418 : vector<512x512xf32>
    %convert_element_type3A_420 = arith.truncf %mul3A_419 : vector<512x512xf32> to vector<512x512xbf16>
    %get3A_421 = arith.constant 1 : index
    %get3A_422 = arith.constant 0 : index
    %get3A_423 = arith.constant 0 : index
    %get3A_424 = vector.load %arg6[%get3A_421, %get3A_422, %get3A_423] : memref<4x512x32xbf16, #tpu.memory_space<vmem>>, vector<1x512x32xbf16>
    %get3A_425 = vector.shape_cast %get3A_424 : vector<1x512x32xbf16> to vector<512x32xbf16>
    %dot_general3A_426 = arith.constant dense<0.000000e+00> : vector<512x32xf32>
    %dot_general3A_427 = tpu.matmul %convert_element_type3A_420, %get3A_425, %dot_general3A_426 {dimension_numbers = #tpu.dot_dimension_numbers<[1], [0], [0], [1], [0, 0, 1, 1], [], []>, transpose_lhs_hint = false} : vector<512x512xbf16>, vector<512x32xbf16>, vector<512x32xf32> -> vector<512x32xf32>
    %add3A_428 = arith.addf %dot_general3A_400, %dot_general3A_427 : vector<512x32xf32>
    %get3A_429 = arith.constant 2 : index
    %get3A_430 = arith.constant 1536 : index
    %get3A_431 = arith.constant 0 : index
    %get3A_432 = vector.load %arg1[%get3A_429, %get3A_430, %get3A_431] : memref<4x2056x256xf32, #tpu.memory_space<vmem>>, vector<1x512x256xf32>
    %get3A_433 = vector.shape_cast %get3A_432 : vector<1x512x256xf32> to vector<512x256xf32>
    %convert_element_type3A_434 = arith.truncf %get3A_433 : vector<512x256xf32> to vector<512x256xbf16>
    %get3A_435 = arith.constant 0 : index
    %get3A_436 = arith.constant 0 : index
    %get3A_437 = vector.load %arg2[%get3A_435, %get3A_436] : memref<256x1024xbf16, #tpu.memory_space<vmem>>, vector<256x1024xbf16>
    %dot_general3A_438 = arith.constant dense<0.000000e+00> : vector<512x1024xf32>
    %dot_general3A_439 = tpu.matmul %convert_element_type3A_434, %get3A_437, %dot_general3A_438 {dimension_numbers = #tpu.dot_dimension_numbers<[1], [0], [0], [1], [0, 0, 1, 1], [], []>, transpose_lhs_hint = false} : vector<512x256xbf16>, vector<256x1024xbf16>, vector<512x1024xf32> -> vector<512x1024xf32>
    %get3A_440 = arith.constant 0 : index
    %get3A_441 = arith.constant 0 : index
    %get3A_442 = vector.load %arg3[%get3A_440, %get3A_441] : memref<1x1024xf32, #tpu.memory_space<vmem>>, vector<1x1024xf32>
    %add3A_443 = vector.broadcast %get3A_442 : vector<1x1024xf32> to vector<512x1024xf32>
    %add3A_444 = arith.addf %dot_general3A_439, %add3A_443 : vector<512x1024xf32>
    %slice3A_445 = vector.extract_strided_slice %add3A_444 {offsets = [0, 0], sizes = [512, 512], strides = [1, 1]} : vector<512x1024xf32> to vector<512x512xf32>
    %slice3A_446 = vector.extract_strided_slice %add3A_444 {offsets = [0, 512], sizes = [512, 512], strides = [1, 1]} : vector<512x1024xf32> to vector<512x512xf32>
    %mul3A_447 = arith.mulf %slice3A_445, %slice3A_446 : vector<512x512xf32>
    %convert_element_type3A_448 = arith.truncf %mul3A_447 : vector<512x512xf32> to vector<512x512xbf16>
    %get3A_449 = arith.constant 2 : index
    %get3A_450 = arith.constant 0 : index
    %get3A_451 = arith.constant 0 : index
    %get3A_452 = vector.load %arg6[%get3A_449, %get3A_450, %get3A_451] : memref<4x512x32xbf16, #tpu.memory_space<vmem>>, vector<1x512x32xbf16>
    %get3A_453 = vector.shape_cast %get3A_452 : vector<1x512x32xbf16> to vector<512x32xbf16>
    %dot_general3A_454 = arith.constant dense<0.000000e+00> : vector<512x32xf32>
    %dot_general3A_455 = tpu.matmul %convert_element_type3A_448, %get3A_453, %dot_general3A_454 {dimension_numbers = #tpu.dot_dimension_numbers<[1], [0], [0], [1], [0, 0, 1, 1], [], []>, transpose_lhs_hint = false} : vector<512x512xbf16>, vector<512x32xbf16>, vector<512x32xf32> -> vector<512x32xf32>
    %add3A_456 = arith.addf %add3A_428, %dot_general3A_455 : vector<512x32xf32>
    %get3A_457 = arith.constant 3 : index
    %get3A_458 = arith.constant 1536 : index
    %get3A_459 = arith.constant 0 : index
    %get3A_460 = vector.load %arg1[%get3A_457, %get3A_458, %get3A_459] : memref<4x2056x256xf32, #tpu.memory_space<vmem>>, vector<1x512x256xf32>
    %get3A_461 = vector.shape_cast %get3A_460 : vector<1x512x256xf32> to vector<512x256xf32>
    %convert_element_type3A_462 = arith.truncf %get3A_461 : vector<512x256xf32> to vector<512x256xbf16>
    %get3A_463 = arith.constant 0 : index
    %get3A_464 = arith.constant 0 : index
    %get3A_465 = vector.load %arg2[%get3A_463, %get3A_464] : memref<256x1024xbf16, #tpu.memory_space<vmem>>, vector<256x1024xbf16>
    %dot_general3A_466 = arith.constant dense<0.000000e+00> : vector<512x1024xf32>
    %dot_general3A_467 = tpu.matmul %convert_element_type3A_462, %get3A_465, %dot_general3A_466 {dimension_numbers = #tpu.dot_dimension_numbers<[1], [0], [0], [1], [0, 0, 1, 1], [], []>, transpose_lhs_hint = false} : vector<512x256xbf16>, vector<256x1024xbf16>, vector<512x1024xf32> -> vector<512x1024xf32>
    %get3A_468 = arith.constant 0 : index
    %get3A_469 = arith.constant 0 : index
    %get3A_470 = vector.load %arg3[%get3A_468, %get3A_469] : memref<1x1024xf32, #tpu.memory_space<vmem>>, vector<1x1024xf32>
    %add3A_471 = vector.broadcast %get3A_470 : vector<1x1024xf32> to vector<512x1024xf32>
    %add3A_472 = arith.addf %dot_general3A_467, %add3A_471 : vector<512x1024xf32>
    %slice3A_473 = vector.extract_strided_slice %add3A_472 {offsets = [0, 0], sizes = [512, 512], strides = [1, 1]} : vector<512x1024xf32> to vector<512x512xf32>
    %slice3A_474 = vector.extract_strided_slice %add3A_472 {offsets = [0, 512], sizes = [512, 512], strides = [1, 1]} : vector<512x1024xf32> to vector<512x512xf32>
    %mul3A_475 = arith.mulf %slice3A_473, %slice3A_474 : vector<512x512xf32>
    %convert_element_type3A_476 = arith.truncf %mul3A_475 : vector<512x512xf32> to vector<512x512xbf16>
    %get3A_477 = arith.constant 3 : index
    %get3A_478 = arith.constant 0 : index
    %get3A_479 = arith.constant 0 : index
    %get3A_480 = vector.load %arg6[%get3A_477, %get3A_478, %get3A_479] : memref<4x512x32xbf16, #tpu.memory_space<vmem>>, vector<1x512x32xbf16>
    %get3A_481 = vector.shape_cast %get3A_480 : vector<1x512x32xbf16> to vector<512x32xbf16>
    %dot_general3A_482 = arith.constant dense<0.000000e+00> : vector<512x32xf32>
    %dot_general3A_483 = tpu.matmul %convert_element_type3A_476, %get3A_481, %dot_general3A_482 {dimension_numbers = #tpu.dot_dimension_numbers<[1], [0], [0], [1], [0, 0, 1, 1], [], []>, transpose_lhs_hint = false} : vector<512x512xbf16>, vector<512x32xbf16>, vector<512x32xf32> -> vector<512x32xf32>
    %add3A_484 = arith.addf %add3A_456, %dot_general3A_483 : vector<512x32xf32>
    %swap3A_485 = arith.constant 1536 : index
    %swap3A_486 = arith.constant 0 : index
    %swap3A_487 = vector.load %arg9[%swap3A_485, %swap3A_486] : memref<2048x32xf32, #tpu.memory_space<vmem>>, vector<512x32xf32>
    tpu.vector_store %arg9[%swap3A_485, %swap3A_486], %add3A_484 {strides = array<i32>} : memref<2048x32xf32, #tpu.memory_space<vmem>>, vector<512x32xf32>,
    %broadcast_in_dim3A = vector.broadcast %reduce_sum3A_7 : f32 to vector<1x8xf32>
    %broadcast_in_dim3A_488 = vector.broadcast %reduce_sum3A_17 : f32 to vector<1x8xf32>
    %broadcast_in_dim3A_489 = vector.broadcast %reduce_sum3A_27 : f32 to vector<1x8xf32>
    %broadcast_in_dim3A_490 = vector.broadcast %reduce_sum3A_37 : f32 to vector<1x8xf32>
    %concatenate3A = tpu.concatenate %broadcast_in_dim3A, %broadcast_in_dim3A_488, %broadcast_in_dim3A_489, %broadcast_in_dim3A_490 in 1 : vector<1x8xf32>, vector<1x8xf32>, vector<1x8xf32>, vector<1x8xf32> -> vector<1x32xf32>
    %iota3A = tpu.iota {dimensions = array<i32: 0>} : vector<2048x32xi32>
    %convert_element_type3A_491 = arith.sitofp %iota3A : vector<2048x32xi32> to vector<2048x32xf32>
    %lt3A = vector.broadcast %concatenate3A : vector<1x32xf32> to vector<2048x32xf32>
    %lt3A_492 = arith.cmpf olt, %convert_element_type3A_491, %lt3A : vector<2048x32xf32>
    %jit3A = arith.constant 1.000000e+00 : f32
    %jit3A_493 = arith.constant 0.000000e+00 : f32
    %broadcast_in_dim3A_494 = vector.broadcast %jit3A : f32 to vector<2048x32xf32>
    %broadcast_in_dim3A_495 = vector.broadcast %jit3A_493 : f32 to vector<2048x32xf32>
    %select_n3A = arith.select %lt3A_492, %broadcast_in_dim3A_494, %broadcast_in_dim3A_495 : vector<2048x32xi1>, vector<2048x32xf32>
    %get3A_496 = arith.constant 0 : index
    %get3A_497 = arith.constant 0 : index
    %get3A_498 = vector.load %arg9[%get3A_496, %get3A_497] : memref<2048x32xf32, #tpu.memory_space<vmem>>, vector<2048x32xf32>
    %mul3A_499 = arith.mulf %get3A_498, %select_n3A : vector<2048x32xf32>
    %max3A = arith.constant 0.000000e+00 : f32
    %max3A_500 = vector.broadcast %max3A : f32 to vector<2048x32xf32>
    %max3A_501 = arith.maximumf %mul3A_499, %max3A_500 : vector<2048x32xf32>
    %reduce_max3A = arith.constant dense<0xFF800000> : vector<32xf32>
    %reduce_max3A_502 = vector.multi_reduction <maximumf>, %max3A_501, %reduce_max3A [0] : vector<2048x32xf32> to vector<32xf32>
    %broadcast_in_dim3A_503 = vector.shape_cast %reduce_max3A_502 : vector<32xf32> to vector<1x32xf32>
    %sub3A = vector.broadcast %broadcast_in_dim3A_503 : vector<1x32xf32> to vector<2048x32xf32>
    %sub3A_504 = arith.subf %mul3A_499, %sub3A : vector<2048x32xf32>
    %exp3A = math.exp %sub3A_504 : vector<2048x32xf32>
    %mul3A_505 = arith.mulf %exp3A, %select_n3A : vector<2048x32xf32>
    %reduce_sum3A_506 = arith.constant dense<0.000000e+00> : vector<32xf32>
    %reduce_sum3A_507 = vector.multi_reduction <add>, %mul3A_505, %reduce_sum3A_506 [0] : vector<2048x32xf32> to vector<32xf32>
    %broadcast_in_dim3A_508 = vector.shape_cast %reduce_sum3A_507 : vector<32xf32> to vector<1x32xf32>
    %add3A_509 = arith.constant 1.000000e+00 : f32
    %add3A_510 = vector.broadcast %add3A_509 : f32 to vector<1x32xf32>
    %add3A_511 = arith.addf %broadcast_in_dim3A_508, %add3A_510 : vector<1x32xf32>
    %div3A = vector.broadcast %add3A_511 : vector<1x32xf32> to vector<2048x32xf32>
    %div3A_512 = arith.divf %mul3A_505, %div3A : vector<2048x32xf32>
    %slice3A_513 = vector.extract_strided_slice %div3A_512 {offsets = [0, 0], sizes = [2048, 8], strides = [1, 1]} : vector<2048x32xf32> to vector<2048x8xf32>
    %get3A_514 = arith.constant 0 : index
    %get3A_515 = arith.constant 0 : index
    %get3A_516 = arith.constant 0 : index
    %get3A_517 = vector.load %arg1[%get3A_514, %get3A_515, %get3A_516] : memref<4x2056x256xf32, #tpu.memory_space<vmem>>, vector<1x2048x256xf32>
    %get3A_518 = vector.shape_cast %get3A_517 : vector<1x2048x256xf32> to vector<2048x256xf32>
    %dot_general3A_519 = arith.constant dense<0.000000e+00> : vector<8x256xf32>
    %dot_general3A_520 = tpu.matmul %slice3A_513, %get3A_518, %dot_general3A_519 {dimension_numbers = #tpu.dot_dimension_numbers<[0], [0], [1], [1], [0, 1, 1, 1], [], []>, transpose_lhs_hint = false} : vector<2048x8xf32>, vector<2048x256xf32>, vector<8x256xf32> -> vector<8x256xf32>
    %reduce_sum3A_521 = arith.constant dense<0.000000e+00> : vector<8xf32>
    %reduce_sum3A_522 = vector.multi_reduction <add>, %slice3A_513, %reduce_sum3A_521 [0] : vector<2048x8xf32> to vector<8xf32>
    %broadcast_in_dim3A_523 = vector.shape_cast %reduce_sum3A_522 : vector<8xf32> to vector<1x8xf32>
    %get3A_524 = arith.constant 0 : index
    %get3A_525 = arith.constant 0 : index
    %get3A_526 = vector.load %arg4[%get3A_524, %get3A_525] : memref<256x512xf32, #tpu.memory_space<vmem>>, vector<256x512xf32>
    %dot_general3A_527 = arith.constant dense<0.000000e+00> : vector<8x512xf32>
    %dot_general3A_528 = tpu.matmul %dot_general3A_520, %get3A_526, %dot_general3A_527 {dimension_numbers = #tpu.dot_dimension_numbers<[1], [0], [0], [1], [0, 0, 1, 1], [], []>, transpose_lhs_hint = false} : vector<8x256xf32>, vector<256x512xf32>, vector<8x512xf32> -> vector<8x512xf32>
    %get3A_529 = arith.constant 0 : index
    %get3A_530 = arith.constant 0 : index
    %get3A_531 = vector.load %arg7[%get3A_529, %get3A_530] : memref<8x512xf32, #tpu.memory_space<vmem>>, vector<8x512xf32>
    %mul3A_532 = arith.mulf %dot_general3A_528, %get3A_531 : vector<8x512xf32>
    %reduce_sum3A_533 = arith.constant dense<0.000000e+00> : vector<512xf32>
    %reduce_sum3A_534 = vector.multi_reduction <add>, %mul3A_532, %reduce_sum3A_533 [0] : vector<8x512xf32> to vector<512xf32>
    %broadcast_in_dim3A_535 = vector.shape_cast %reduce_sum3A_534 : vector<512xf32> to vector<1x512xf32>
    %get3A_536 = arith.constant 0 : index
    %get3A_537 = arith.constant 0 : index
    %get3A_538 = vector.load %arg7[%get3A_536, %get3A_537] : memref<8x512xf32, #tpu.memory_space<vmem>>, vector<8x512xf32>
    %dot_general3A_539 = arith.constant dense<0.000000e+00> : vector<1x512xf32>
    %dot_general3A_540 = tpu.matmul %broadcast_in_dim3A_523, %get3A_538, %dot_general3A_539 {dimension_numbers = #tpu.dot_dimension_numbers<[1], [0], [0], [1], [0, 0, 1, 1], [], []>, transpose_lhs_hint = false} : vector<1x8xf32>, vector<8x512xf32>, vector<1x512xf32> -> vector<1x512xf32>
    %get3A_541 = arith.constant 0 : index
    %get3A_542 = arith.constant 0 : index
    %get3A_543 = vector.load %arg5[%get3A_541, %get3A_542] : memref<1x512xf32, #tpu.memory_space<vmem>>, vector<1x512xf32>
    %mul3A_544 = arith.mulf %dot_general3A_540, %get3A_543 : vector<1x512xf32>
    %add3A_545 = arith.addf %broadcast_in_dim3A_535, %mul3A_544 : vector<1x512xf32>
    %mul3A_546 = arith.constant 4.8828125E-4 : f32
    %mul3A_547 = arith.mulf %reduce_sum3A_7, %mul3A_546 : f32
    %broadcast_in_dim3A_548 = vector.broadcast %mul3A_547 : f32 to vector<1x128xf32>
    %concatenate3A_549 = tpu.concatenate %add3A_545, %broadcast_in_dim3A_548 in 1 : vector<1x512xf32>, vector<1x128xf32> -> vector<1x640xf32>
    %swap3A_550 = arith.constant 0 : index
    %swap3A_551 = arith.constant 0 : index
    %swap3A_552 = arith.constant 0 : index
    %swap3A_553 = vector.load %arg8[%swap3A_550, %swap3A_551, %swap3A_552] : memref<4x1x640xf32, #tpu.memory_space<vmem>>, vector<1x1x640xf32>
    %swap3A_554 = vector.shape_cast %swap3A_553 : vector<1x1x640xf32> to vector<1x640xf32>
    %swap3A_555 = vector.shape_cast %concatenate3A_549 : vector<1x640xf32> to vector<1x1x640xf32>
    tpu.vector_store %arg8[%swap3A_550, %swap3A_551, %swap3A_552], %swap3A_555 {strides = array<i32>} : memref<4x1x640xf32, #tpu.memory_space<vmem>>, vector<1x1x640xf32>,
    %slice3A_556 = vector.extract_strided_slice %div3A_512 {offsets = [0, 8], sizes = [2048, 8], strides = [1, 1]} : vector<2048x32xf32> to vector<2048x8xf32>
    %get3A_557 = arith.constant 1 : index
    %get3A_558 = arith.constant 0 : index
    %get3A_559 = arith.constant 0 : index
    %get3A_560 = vector.load %arg1[%get3A_557, %get3A_558, %get3A_559] : memref<4x2056x256xf32, #tpu.memory_space<vmem>>, vector<1x2048x256xf32>
    %get3A_561 = vector.shape_cast %get3A_560 : vector<1x2048x256xf32> to vector<2048x256xf32>
    %dot_general3A_562 = arith.constant dense<0.000000e+00> : vector<8x256xf32>
    %dot_general3A_563 = tpu.matmul %slice3A_556, %get3A_561, %dot_general3A_562 {dimension_numbers = #tpu.dot_dimension_numbers<[0], [0], [1], [1], [0, 1, 1, 1], [], []>, transpose_lhs_hint = false} : vector<2048x8xf32>, vector<2048x256xf32>, vector<8x256xf32> -> vector<8x256xf32>
    %reduce_sum3A_564 = arith.constant dense<0.000000e+00> : vector<8xf32>
    %reduce_sum3A_565 = vector.multi_reduction <add>, %slice3A_556, %reduce_sum3A_564 [0] : vector<2048x8xf32> to vector<8xf32>
    %broadcast_in_dim3A_566 = vector.shape_cast %reduce_sum3A_565 : vector<8xf32> to vector<1x8xf32>
    %get3A_567 = arith.constant 0 : index
    %get3A_568 = arith.constant 0 : index
    %get3A_569 = vector.load %arg4[%get3A_567, %get3A_568] : memref<256x512xf32, #tpu.memory_space<vmem>>, vector<256x512xf32>
    %dot_general3A_570 = arith.constant dense<0.000000e+00> : vector<8x512xf32>
    %dot_general3A_571 = tpu.matmul %dot_general3A_563, %get3A_569, %dot_general3A_570 {dimension_numbers = #tpu.dot_dimension_numbers<[1], [0], [0], [1], [0, 0, 1, 1], [], []>, transpose_lhs_hint = false} : vector<8x256xf32>, vector<256x512xf32>, vector<8x512xf32> -> vector<8x512xf32>
    %get3A_572 = arith.constant 0 : index
    %get3A_573 = arith.constant 0 : index
    %get3A_574 = vector.load %arg7[%get3A_572, %get3A_573] : memref<8x512xf32, #tpu.memory_space<vmem>>, vector<8x512xf32>
    %mul3A_575 = arith.mulf %dot_general3A_571, %get3A_574 : vector<8x512xf32>
    %reduce_sum3A_576 = arith.constant dense<0.000000e+00> : vector<512xf32>
    %reduce_sum3A_577 = vector.multi_reduction <add>, %mul3A_575, %reduce_sum3A_576 [0] : vector<8x512xf32> to vector<512xf32>
    %broadcast_in_dim3A_578 = vector.shape_cast %reduce_sum3A_577 : vector<512xf32> to vector<1x512xf32>
    %get3A_579 = arith.constant 0 : index
    %get3A_580 = arith.constant 0 : index
    %get3A_581 = vector.load %arg7[%get3A_579, %get3A_580] : memref<8x512xf32, #tpu.memory_space<vmem>>, vector<8x512xf32>
    %dot_general3A_582 = arith.constant dense<0.000000e+00> : vector<1x512xf32>
    %dot_general3A_583 = tpu.matmul %broadcast_in_dim3A_566, %get3A_581, %dot_general3A_582 {dimension_numbers = #tpu.dot_dimension_numbers<[1], [0], [0], [1], [0, 0, 1, 1], [], []>, transpose_lhs_hint = false} : vector<1x8xf32>, vector<8x512xf32>, vector<1x512xf32> -> vector<1x512xf32>
    %get3A_584 = arith.constant 0 : index
    %get3A_585 = arith.constant 0 : index
    %get3A_586 = vector.load %arg5[%get3A_584, %get3A_585] : memref<1x512xf32, #tpu.memory_space<vmem>>, vector<1x512xf32>
    %mul3A_587 = arith.mulf %dot_general3A_583, %get3A_586 : vector<1x512xf32>
    %add3A_588 = arith.addf %broadcast_in_dim3A_578, %mul3A_587 : vector<1x512xf32>
    %mul3A_589 = arith.constant 4.8828125E-4 : f32
    %mul3A_590 = arith.mulf %reduce_sum3A_17, %mul3A_589 : f32
    %broadcast_in_dim3A_591 = vector.broadcast %mul3A_590 : f32 to vector<1x128xf32>
    %concatenate3A_592 = tpu.concatenate %add3A_588, %broadcast_in_dim3A_591 in 1 : vector<1x512xf32>, vector<1x128xf32> -> vector<1x640xf32>
    %swap3A_593 = arith.constant 1 : index
    %swap3A_594 = arith.constant 0 : index
    %swap3A_595 = arith.constant 0 : index
    %swap3A_596 = vector.load %arg8[%swap3A_593, %swap3A_594, %swap3A_595] : memref<4x1x640xf32, #tpu.memory_space<vmem>>, vector<1x1x640xf32>
    %swap3A_597 = vector.shape_cast %swap3A_596 : vector<1x1x640xf32> to vector<1x640xf32>
    %swap3A_598 = vector.shape_cast %concatenate3A_592 : vector<1x640xf32> to vector<1x1x640xf32>
    tpu.vector_store %arg8[%swap3A_593, %swap3A_594, %swap3A_595], %swap3A_598 {strides = array<i32>} : memref<4x1x640xf32, #tpu.memory_space<vmem>>, vector<1x1x640xf32>,
    %slice3A_599 = vector.extract_strided_slice %div3A_512 {offsets = [0, 16], sizes = [2048, 8], strides = [1, 1]} : vector<2048x32xf32> to vector<2048x8xf32>
    %get3A_600 = arith.constant 2 : index
    %get3A_601 = arith.constant 0 : index
    %get3A_602 = arith.constant 0 : index
    %get3A_603 = vector.load %arg1[%get3A_600, %get3A_601, %get3A_602] : memref<4x2056x256xf32, #tpu.memory_space<vmem>>, vector<1x2048x256xf32>
    %get3A_604 = vector.shape_cast %get3A_603 : vector<1x2048x256xf32> to vector<2048x256xf32>
    %dot_general3A_605 = arith.constant dense<0.000000e+00> : vector<8x256xf32>
    %dot_general3A_606 = tpu.matmul %slice3A_599, %get3A_604, %dot_general3A_605 {dimension_numbers = #tpu.dot_dimension_numbers<[0], [0], [1], [1], [0, 1, 1, 1], [], []>, transpose_lhs_hint = false} : vector<2048x8xf32>, vector<2048x256xf32>, vector<8x256xf32> -> vector<8x256xf32>
    %reduce_sum3A_607 = arith.constant dense<0.000000e+00> : vector<8xf32>
    %reduce_sum3A_608 = vector.multi_reduction <add>, %slice3A_599, %reduce_sum3A_607 [0] : vector<2048x8xf32> to vector<8xf32>
    %broadcast_in_dim3A_609 = vector.shape_cast %reduce_sum3A_608 : vector<8xf32> to vector<1x8xf32>
    %get3A_610 = arith.constant 0 : index
    %get3A_611 = arith.constant 0 : index
    %get3A_612 = vector.load %arg4[%get3A_610, %get3A_611] : memref<256x512xf32, #tpu.memory_space<vmem>>, vector<256x512xf32>
    %dot_general3A_613 = arith.constant dense<0.000000e+00> : vector<8x512xf32>
    %dot_general3A_614 = tpu.matmul %dot_general3A_606, %get3A_612, %dot_general3A_613 {dimension_numbers = #tpu.dot_dimension_numbers<[1], [0], [0], [1], [0, 0, 1, 1], [], []>, transpose_lhs_hint = false} : vector<8x256xf32>, vector<256x512xf32>, vector<8x512xf32> -> vector<8x512xf32>
    %get3A_615 = arith.constant 0 : index
    %get3A_616 = arith.constant 0 : index
    %get3A_617 = vector.load %arg7[%get3A_615, %get3A_616] : memref<8x512xf32, #tpu.memory_space<vmem>>, vector<8x512xf32>
    %mul3A_618 = arith.mulf %dot_general3A_614, %get3A_617 : vector<8x512xf32>
    %reduce_sum3A_619 = arith.constant dense<0.000000e+00> : vector<512xf32>
    %reduce_sum3A_620 = vector.multi_reduction <add>, %mul3A_618, %reduce_sum3A_619 [0] : vector<8x512xf32> to vector<512xf32>
    %broadcast_in_dim3A_621 = vector.shape_cast %reduce_sum3A_620 : vector<512xf32> to vector<1x512xf32>
    %get3A_622 = arith.constant 0 : index
    %get3A_623 = arith.constant 0 : index
    %get3A_624 = vector.load %arg7[%get3A_622, %get3A_623] : memref<8x512xf32, #tpu.memory_space<vmem>>, vector<8x512xf32>
    %dot_general3A_625 = arith.constant dense<0.000000e+00> : vector<1x512xf32>
    %dot_general3A_626 = tpu.matmul %broadcast_in_dim3A_609, %get3A_624, %dot_general3A_625 {dimension_numbers = #tpu.dot_dimension_numbers<[1], [0], [0], [1], [0, 0, 1, 1], [], []>, transpose_lhs_hint = false} : vector<1x8xf32>, vector<8x512xf32>, vector<1x512xf32> -> vector<1x512xf32>
    %get3A_627 = arith.constant 0 : index
    %get3A_628 = arith.constant 0 : index
    %get3A_629 = vector.load %arg5[%get3A_627, %get3A_628] : memref<1x512xf32, #tpu.memory_space<vmem>>, vector<1x512xf32>
    %mul3A_630 = arith.mulf %dot_general3A_626, %get3A_629 : vector<1x512xf32>
    %add3A_631 = arith.addf %broadcast_in_dim3A_621, %mul3A_630 : vector<1x512xf32>
    %mul3A_632 = arith.constant 4.8828125E-4 : f32
    %mul3A_633 = arith.mulf %reduce_sum3A_27, %mul3A_632 : f32
    %broadcast_in_dim3A_634 = vector.broadcast %mul3A_633 : f32 to vector<1x128xf32>
    %concatenate3A_635 = tpu.concatenate %add3A_631, %broadcast_in_dim3A_634 in 1 : vector<1x512xf32>, vector<1x128xf32> -> vector<1x640xf32>
    %swap3A_636 = arith.constant 2 : index
    %swap3A_637 = arith.constant 0 : index
    %swap3A_638 = arith.constant 0 : index
    %swap3A_639 = vector.load %arg8[%swap3A_636, %swap3A_637, %swap3A_638] : memref<4x1x640xf32, #tpu.memory_space<vmem>>, vector<1x1x640xf32>
    %swap3A_640 = vector.shape_cast %swap3A_639 : vector<1x1x640xf32> to vector<1x640xf32>
    %swap3A_641 = vector.shape_cast %concatenate3A_635 : vector<1x640xf32> to vector<1x1x640xf32>
    tpu.vector_store %arg8[%swap3A_636, %swap3A_637, %swap3A_638], %swap3A_641 {strides = array<i32>} : memref<4x1x640xf32, #tpu.memory_space<vmem>>, vector<1x1x640xf32>,
    %slice3A_642 = vector.extract_strided_slice %div3A_512 {offsets = [0, 24], sizes = [2048, 8], strides = [1, 1]} : vector<2048x32xf32> to vector<2048x8xf32>
    %get3A_643 = arith.constant 3 : index
    %get3A_644 = arith.constant 0 : index
    %get3A_645 = arith.constant 0 : index
    %get3A_646 = vector.load %arg1[%get3A_643, %get3A_644, %get3A_645] : memref<4x2056x256xf32, #tpu.memory_space<vmem>>, vector<1x2048x256xf32>
    %get3A_647 = vector.shape_cast %get3A_646 : vector<1x2048x256xf32> to vector<2048x256xf32>
    %dot_general3A_648 = arith.constant dense<0.000000e+00> : vector<8x256xf32>
    %dot_general3A_649 = tpu.matmul %slice3A_642, %get3A_647, %dot_general3A_648 {dimension_numbers = #tpu.dot_dimension_numbers<[0], [0], [1], [1], [0, 1, 1, 1], [], []>, transpose_lhs_hint = false} : vector<2048x8xf32>, vector<2048x256xf32>, vector<8x256xf32> -> vector<8x256xf32>
    %reduce_sum3A_650 = arith.constant dense<0.000000e+00> : vector<8xf32>
    %reduce_sum3A_651 = vector.multi_reduction <add>, %slice3A_642, %reduce_sum3A_650 [0] : vector<2048x8xf32> to vector<8xf32>
    %broadcast_in_dim3A_652 = vector.shape_cast %reduce_sum3A_651 : vector<8xf32> to vector<1x8xf32>
    %get3A_653 = arith.constant 0 : index
    %get3A_654 = arith.constant 0 : index
    %get3A_655 = vector.load %arg4[%get3A_653, %get3A_654] : memref<256x512xf32, #tpu.memory_space<vmem>>, vector<256x512xf32>
    %dot_general3A_656 = arith.constant dense<0.000000e+00> : vector<8x512xf32>
    %dot_general3A_657 = tpu.matmul %dot_general3A_649, %get3A_655, %dot_general3A_656 {dimension_numbers = #tpu.dot_dimension_numbers<[1], [0], [0], [1], [0, 0, 1, 1], [], []>, transpose_lhs_hint = false} : vector<8x256xf32>, vector<256x512xf32>, vector<8x512xf32> -> vector<8x512xf32>
    %get3A_658 = arith.constant 0 : index
    %get3A_659 = arith.constant 0 : index
    %get3A_660 = vector.load %arg7[%get3A_658, %get3A_659] : memref<8x512xf32, #tpu.memory_space<vmem>>, vector<8x512xf32>
    %mul3A_661 = arith.mulf %dot_general3A_657, %get3A_660 : vector<8x512xf32>
    %reduce_sum3A_662 = arith.constant dense<0.000000e+00> : vector<512xf32>
    %reduce_sum3A_663 = vector.multi_reduction <add>, %mul3A_661, %reduce_sum3A_662 [0] : vector<8x512xf32> to vector<512xf32>
    %broadcast_in_dim3A_664 = vector.shape_cast %reduce_sum3A_663 : vector<512xf32> to vector<1x512xf32>
    %get3A_665 = arith.constant 0 : index
    %get3A_666 = arith.constant 0 : index
    %get3A_667 = vector.load %arg7[%get3A_665, %get3A_666] : memref<8x512xf32, #tpu.memory_space<vmem>>, vector<8x512xf32>
    %dot_general3A_668 = arith.constant dense<0.000000e+00> : vector<1x512xf32>
    %dot_general3A_669 = tpu.matmul %broadcast_in_dim3A_652, %get3A_667, %dot_general3A_668 {dimension_numbers = #tpu.dot_dimension_numbers<[1], [0], [0], [1], [0, 0, 1, 1], [], []>, transpose_lhs_hint = false} : vector<1x8xf32>, vector<8x512xf32>, vector<1x512xf32> -> vector<1x512xf32>
    %get3A_670 = arith.constant 0 : index
    %get3A_671 = arith.constant 0 : index
    %get3A_672 = vector.load %arg5[%get3A_670, %get3A_671] : memref<1x512xf32, #tpu.memory_space<vmem>>, vector<1x512xf32>
    %mul3A_673 = arith.mulf %dot_general3A_669, %get3A_672 : vector<1x512xf32>
    %add3A_674 = arith.addf %broadcast_in_dim3A_664, %mul3A_673 : vector<1x512xf32>
    %mul3A_675 = arith.constant 4.8828125E-4 : f32
    %mul3A_676 = arith.mulf %reduce_sum3A_37, %mul3A_675 : f32
    %broadcast_in_dim3A_677 = vector.broadcast %mul3A_676 : f32 to vector<1x128xf32>
    %concatenate3A_678 = tpu.concatenate %add3A_674, %broadcast_in_dim3A_677 in 1 : vector<1x512xf32>, vector<1x128xf32> -> vector<1x640xf32>
    %swap3A_679 = arith.constant 3 : index
    %swap3A_680 = arith.constant 0 : index
    %swap3A_681 = arith.constant 0 : index
    %swap3A_682 = vector.load %arg8[%swap3A_679, %swap3A_680, %swap3A_681] : memref<4x1x640xf32, #tpu.memory_space<vmem>>, vector<1x1x640xf32>
    %swap3A_683 = vector.shape_cast %swap3A_682 : vector<1x1x640xf32> to vector<1x640xf32>
    %swap3A_684 = vector.shape_cast %concatenate3A_678 : vector<1x640xf32> to vector<1x1x640xf32>
    tpu.vector_store %arg8[%swap3A_679, %swap3A_680, %swap3A_681], %swap3A_684 {strides = array<i32>} : memref<4x1x640xf32, #tpu.memory_space<vmem>>, vector<1x1x640xf32>,
    return
  }
  func.func @transform_0(%arg0: i32) -> (i32, i32, i32) {
    %c0_i32 = arith.constant 0 : i32
    %c0_i32_0 = arith.constant 0 : i32
    %c0_i32_1 = arith.constant 0 : i32
    return %arg0, %c0_i32, %c0_i32_0 : i32, i32, i32
  }
  func.func @transform_1(%arg0: i32) -> (i32, i32) {
    %c0_i32 = arith.constant 0 : i32
    %c0_i32_0 = arith.constant 0 : i32
    %c0_i32_1 = arith.constant 0 : i32
    return %c0_i32, %c0_i32_0 : i32, i32
  }
  func.func @transform_2(%arg0: i32) -> (i32, i32) {
    %c0_i32 = arith.constant 0 : i32
    %c0_i32_0 = arith.constant 0 : i32
    %c0_i32_1 = arith.constant 0 : i32
    return %c0_i32, %c0_i32_0 : i32, i32
  }
  func.func @transform_3(%arg0: i32) -> (i32, i32) {
    %c0_i32 = arith.constant 0 : i32
    %c0_i32_0 = arith.constant 0 : i32
    %c0_i32_1 = arith.constant 0 : i32
    return %c0_i32, %c0_i32_0 : i32, i32
  }
  func.func @transform_4(%arg0: i32) -> (i32, i32) {
    %c0_i32 = arith.constant 0 : i32
    %c0_i32_0 = arith.constant 0 : i32
    %c0_i32_1 = arith.constant 0 : i32
    return %c0_i32, %c0_i32_0 : i32, i32
  }
  func.func @transform_5(%arg0: i32) -> (i32, i32, i32) {
    %c0_i32 = arith.constant 0 : i32
    %c0_i32_0 = arith.constant 0 : i32
    %c0_i32_1 = arith.constant 0 : i32
    %c0_i32_2 = arith.constant 0 : i32
    return %c0_i32, %c0_i32_0, %c0_i32_1 : i32, i32, i32
  }
  func.func @transform_6(%arg0: i32) -> (i32, i32) {
    %c0_i32 = arith.constant 0 : i32
    %c0_i32_0 = arith.constant 0 : i32
    %c0_i32_1 = arith.constant 0 : i32
    return %c0_i32, %c0_i32_0 : i32, i32
  }
  func.func @transform_7(%arg0: i32) -> (i32, i32, i32) {
    %c0_i32 = arith.constant 0 : i32
    %c0_i32_0 = arith.constant 0 : i32
    %c0_i32_1 = arith.constant 0 : i32
    return %arg0, %c0_i32, %c0_i32_0 : i32, i32, i32
  }
}

</mosaic_0001>

<sc_bundles>
// kernel: sparse-core-data-format-call.cloned.1.call-start
scs
called_computation_lowered:
.L_overlay_start_0:
0x0: {  	s2 =	sld [smem:$0x3FD9]  }
0x1: {  	s3 =	sld [smem:$0x3FFE];
	_ =	sdelay $0x1  }
0x2: {  	s1 =	srdreg.scid  }
0x3: {  	s0 =	sand.u32 $0x1, s1  }
0x4: {  	s18 =	sshll.u32 s0, $0xA;
	s2 =	sadd.s32 s3, s2  }
0x5: {  	s2 =	sadd.s32 s2, s18  }
0x6: {  	[smem:$0x3FBF] =	sst s2  }
0x7: {  	_ = 	snop  }
0x8: {  	s2 =	sld [smem:$0x3FC9];
	(tm) =	ssettm $0x1  }
0x9: {  	s19 =	sld [smem:$0x3FFB];
	_ =	sdelay $0x3  }
0xa: {  	_ =	strace s19  }
0xb: {  	s3 =	sld [smem:$0x3FFC];
	_ =	sdelay $0x3  }
0xc: {  	_ =	strace s3  }
0xd: {  	s3 =	sld [smem:$0x3FFD];
	_ =	sdelay $0x3  }
0xe: {  	_ =	strace s3  }
0xf: {  	_ =	strace $0x8FFFFFFF  }
0x10: {  	s20 =	sld [smem:$0x3FDB];
	_ =	sdelay $0x1  }
0x11: {  	s4 =	simm.s32 $_scs_section_size  }
0x12: {  	s5 =	simm.s32 $_size__tile_overlayer_lowered;
	s6 =	simm.s32 $_tile_overlayer_lowered  }
0x13: {  	s23 =	simm.s32 $0x1BFF;
	s22 =	sshll.u32 s6, $0x1;
	s3 =	sadd.s32 s4, s20  }
0x14: {  	s7 =	simm.s32 $0x0;
	s21 =	sshll.u32 s5, $0x1;
	s5 =	sadd.s32 s22, s3  }
0x15: {  	[timem:s7], [sflag:s23] =	dma.local [hbm:s5], s21  }
0x16: {  	_ =	swait.ge [sflag:s23], s21  }
0x17: {  	s4 =	ssub.s32 $0x0, s21;
	[sflag:s23] =	ssyncset.done $0x0  }
0x18: {  	[sflag:s23] =	ssyncadd.s32 s4;
	_ =	sdelay $0x1  }
0x19: {  	s24 =	simm.s32 $0x1B8B  }
0x1a: {  	_ =	swait.ge [sflag:s24], $0x1  }
0x1b: {  	[sflag:s24] =	ssyncset.done $0x0  }
0x1c: {  	s26 =	simm.s32 $0x1B8E;
	s25 =	sld [smem:$0x3FFE];
	[sflag:s24] =	ssyncadd.s32 $0xFFFFFFFF  }
0x1d: {  	s27 =	simm.s32 $execute0_lowered;
	[smem:$0x3FD2] =	sst s26  }
0x1e: {  	s5 =	sshll.u32 s27, $0x1;
	_ =	strace $0x80000046;
	[dreg:$0x1] =	wrdreg $0xFFFFFFFF  }
0x1f: {  	s28 =	simm.s32 $_size_execute0_lowered;
	s3 =	sadd.s32 s3, s5;
	[dreg:$0x0] =	wrdreg $0x0  }
0x20: {  	s5 =	sshll.u32 s28, $0x1;
	[dreg:$0x2] =	wrdreg s3  }
0x21: {  	[dreg:$0x3] =	wrdreg s5  }
0x22: {  	[dreg:$0x4] =	wrdreg $0xC0  }
0x23: {  	_ =	task [dreg:s7], $0x5FFFF  }
0x24: {  	[dreg:$0x1] =	wrdreg $0xFFFFFFFF  }
0x25: {  	[dreg:$0x0] =	wrdreg $0x60  }
0x26: {  	[dreg:$0x2] =	wrdreg s2  }
0x27: {  	[dreg:$0x3] =	wrdreg s25  }
0x28: {  	[dreg:$0x4] =	wrdreg $0x9  }
0x29: {  	_ =	task.clear_ibuf [dreg:s7], $0x5FFFF;
	_ =	strace $0x90000046  }
0x2a: {  	s29 =	simm.s32 $0x9;
	_ =	strace $0x80000048  }
0x2b: {  	_ =	swait.ge [sflag:s29], $0x1  }
0x2c: {  	[sflag:s29] =	ssyncadd.s32 $0xFFFFFFFF  }
0x2d: {  	_ =	strace $0x90000048  }
0x2e: {  	_ =	sfence  }
0x2f: {  	s30 =	sld [smem:$0x0];
	_ =	sdelay $0x2  }
0x30: {  	s31 =	sshll.u32 s1, $0xD;
	s1 =	sshrl.u32 s1, $0x2  }
0x31: {  	s3 =	sand.u32 $0x4000, s31;
	s1 =	sadd.s32 s1, s30  }
0x32: {  	s0 =	sor.u32 s3, s0;
	s1 =	sshll.u32 s1, $0x11  }
0x33: {  	s0 =	sor.u32 s1, s0  }
0x34: {  	s0 =	sadd.s32 $0x8F2B, s0  }
0x35: {  	[sflag:s0] =	ssyncadd.remote.s32 $0x1  }
0x36: {  	_ =	sfence.sel $0xFFFF  }
0x37: {  	[dreg:$0x0] =	wrdreg $0xFFFFFFFF;
	(pc) =	sbr.abs _section_cstart, $3  }
0x38: {  	[dreg:$0x1] =	wrdreg $0xFFFFFFFF  }
0x39: {  	_ =	task.clear_ibuf [dreg:s7], $0x2FFFF;
	_ =	strace $0x9FFFFFFF  }
0x3a: {  	(tm) =	ssettm $0x7FFFFFFF  }
0x3b: {  	_ =	shalt  }
tec
execute0_lowered:
.L_overlay_start_1:
0x0: {  	(tag) =	ssettag $0x1  }
0x1: {  	s0 =	stileid.u32  }
0x2: {  	s1 =	srdreg.scid;
	s7 =	rddreg [dreg:$0x1]  }
0x3: {  	s31 =	simm.s32 $0x2;
	s15 =	simm.s32 $0x0;
	s10 =	simm.s32 $0x80800  }
0x4: {  	s11 =	simm.s32 $0x0;
	s2 =	sshll.u32 s0, $0x2;
	s1 =	sshll.u32 s1, $0x6  }
0x5: {  	s16 =	simm.s32 $0x0;
	s14 =	simm.s32 $0x0;
	s1 =	sor.u32 s2, s1  }
0x6: {  	s22 =	simm.s32 $0x0;
	s3 =	sand.u32 $0x1, s0;
	s1 =	sand.u32 $0x78, s1  }
0x7: {  	s7 =	sadd.s32 $0x1800, s7;
	s5 =	ssub.s32 $0x2, s3;
	s4 =	ssub.s32 $0x808, s1  }
0x8: {  	s2 =	rddreg [dreg:$0x0];
	s8 =	sshrl.u32 s5, $0x1;
	s6 =	sand.u32 $0x78, s4  }
0x9: {  	s5 =	sand.u32 $0x1, s5;
	p0 =	sne.s32 s6, $0x0;
	s6 =	simm.s32 $0x1  }
.Ltmp0:
0xa: {  	s9 =	sshrl.u32 s4, $0x7;
	s6 =	simm.s32 @!p0 $0x0;
	(pc) =	sbr.rel .LBB1_1-.Ltmp0, $4  }
0xb: {  	s8 =	sadd.s32 s5, s8;
	s5 =	simm.s32 $0x1;
	s6 =	sadd.s32 s6, s9  }
0xc: {  	s4 =	rddreg [dreg:$0x2];
	_ =	strace $0x80000047;
	s6 =	smul.u32 s8, s6  }
0xd: {  	s13 =	smov.u32 s3;
	s12 =	smov.u32 s1;
	[sflag:s5] =	ssyncpa.u1 $0x0  }
0xe: {  	[sflag:s31] =	ssyncpa.u1 $0x0;
	s9 =	simm.s32 $0x800;
	s8 =	sadd.s32 $0x1, s6  }
.LBB1_7:
0xf: {  	s17 =	sadd.s32 $0x80, s12  }
0x10: {  	s15 =	sadd.s32 $0x2, s13;
	s19 =	smov.u32 s13;
	p1 =	sgt.s32 s17, $0x807  }
0x11: {  	s19 =	smov.u32 @p1 s15  }
0x12: {  	s17 =	smov.u32 @p1 s1;
	p1 =	sgt.s32 s19, $0x1  }
0x13: {  	s19 =	smov.u32 @p1 s3;
	p1 =	sne.s32 s14, s8  }
.Ltmp1:
0x14: {  	p0 =	slt.u32 s14, $0x2;
	(pc) =	sbr.rel @!p1 .LBB1_8-.Ltmp1, $4  }
0x15: {  	s18 =	simm.s32 @!p0 $0x2  }
0x16: {  	s16 =	smov.u32 s13;
	s11 =	sadd.s32 $0x4000, s11;
	_ =	swait.ge @!p0 [sflag:s18], $0x4000  }
0x17: {  	s15 =	smov.u32 s12;
	[sflag:s18] =	ssyncset.done @!p0 $0x0;
	s12 =	smov.u32 s17  }
0x18: {  	s14 =	sadd.s32 $0x1, s14;
	[sflag:s18] =	ssyncadd.s32 @!p0 $0xFFFFC000;
	s13 =	smov.u32 s19  }
.LBB1_1:
0x19: {  	p0 =	sge.u32 s14, s6  }
0x1a: {  	s17 =	smul.u32 @!p0 $0x80800, s13  }
0x1b: {  	s31 =	sadd.s32 $0xFFFFFFFF, s14;
	s18 =	sxor.u32 @!p0 $0xFFFFFFFF, s14  }
0x1c: {  	s19 =	sshll.u32 @!p0 s12, $0x8;
	s18 =	sshll.u32 @!p0 s18, $0xE;
	s17 =	sadd.s32 @!p0 s2, s17  }
0x1d: {  	s18 =	sand.u32 @!p0 $0x4000, s18;
	s17 =	sadd.s32 @!p0 s19, s17;
	s19 =	simm.s32 @!p0 $0x0  }
0x1e: {  	[tilespmem:s18], [sflag:$0x1] =	stream.linear.gather @!p0 [hbm4b:s17+s19], $0x4000, $0x38;
	[tilespmem:$0x10000] =	vst v63  }
0x1f: {  	p0 =	sge.u32 s31, s6  }
.Ltmp2:
0x20: {  	_ = 	snop;
	(pc) =	sbr.rel @p0 .LBB1_7-.Ltmp2, $1  }
0x21: {  	_ =	sdelay $0x3  }
0x22: {  	s17 =	sshll.u32 s11, $0x2;
	_ =	swait.ge [sflag:s5], $0x4000;
	s31 =	sshll.u32 s14, $0xE  }
0x23: {  	p0 =	por $0x0, $0x0;
	s23 =	simm.s32 $0x0;
	s24 =	simm.s32 $0x0  }
0x24: {  	s17 =	sand.u32 $0x10000, s17;
	[sflag:s5] =	ssyncset.done $0x0;
	s20 =	sand.u32 $0x4000, s31  }
0x25: {  	s21 =	sshrl.u32 s17, $0x2;
	[sflag:s5] =	ssyncadd.s32 $0xFFFFC000;
	s17 =	sor.u32 $0x8000, s20  }
0x26: {  	s18 =	sor.u32 $0x40, s21;
	s19 =	sor.u32 $0x8410, s21;
	s21 =	sadd.s32 $0x8400, s21  }
.LBB1_3:
0x27: {  	v1 =	vld [tilespmem:s18+$0xFFFFFFD0]  }
0x28: {  	v2 =	vld [tilespmem:s18+$0x430]  }
0x29: {  	s25 =	sshll.u32 s24, $0xB;
	v4 =	vld [tilespmem:s18+$0xFFFFFFE0]  }
0x2a: {  	v7 =	vld [tilespmem:s18+$0xFFFFFFF0];
	v0 =	vmov s25  }
0x2b: {  	v8 =	vld [tilespmem:s18+$0x0]  }
0x2c: {  	s31 =	sand.u32 $0x300, s22;
	v9 =	vld [tilespmem:s18+$0x10]  }
0x2d: {  	s26 =	sand.u32 $0x80, s22;
	v10 =	vld [tilespmem:s18+$0x20];
	s25 =	sadd.s32 s31, s20  }
0x2e: {  	v11 =	vld [tilespmem:s18+$0x30];
	s25 =	sadd.s32 s26, s25;
	s26 =	simm.s32 $0x1;
	[tilespmem:s19+$0x60] =	vst v2  }
0x2f: {  	s31 =	sshll.u32 s23, $0x2;
	s26 =	simm.s32 @!p0 $0x0;
	[tilespmem:s19+$0xFFFFFC00] =	vst v1;
	v3 =	vld.idx.msk [tilespmem:v0+s25+$0x400 ss:$0x1], $0xffff  }
0x30: {  	v6 =	vld [tilespmem:s18+$0x3D0];
	s26 =	sshll.u32 s26, $0x9;
	[tilespmem:s19+$0xFFFFFC10] =	vst v4;
	s25 =	sand.u32 $0xFFFFFC00, s31  }
0x31: {  	v5 =	vld [tilespmem:s18+$0x3E0];
	[tilespmem:s19+$0xFFFFFC20] =	vst v7;
	s25 =	sor.u32 s26, s25  }
0x32: {  	[tilespmem:s19+$0xFFFFFC30] =	vst v8;
	v4 =	vld [tilespmem:s18+$0x400];
	s25 =	sshrl.u32 s25, $0x2  }
0x33: {  	[tilespmem:s19+$0xFFFFFC40] =	vst v9;
	v1 =	vld [tilespmem:s18+$0x410];
	s25 =	sadd.s32 s25, s21  }
0x34: {  	[tilespmem:s25+$0x0] =	vst v3;
	v3 =	vld [tilespmem:s18+$0x3F0]  }
0x35: {  	s29 =	simm.s32 $0x80;
	s28 =	simm.s32 $0x100;
	[tilespmem:s19+$0xFFFFFC50] =	vst v10;
	v2 =	vld [tilespmem:s18+$0x420]  }
0x36: {  	s27 =	smov.u32 s19;
	s30 =	sand.u32 $0x300, s29;
	v7 =	vld [tilespmem:s18+$0xFFFFFFC0];
	[tilespmem:s19+$0xFFFFFC60] =	vst v11;
	s26 =	sadd.s32 $0x80, s18  }
.LBB1_4:
0x37: {  	p1 =	sne.s32 s28, $0x380;
	v8 =	vld [tilespmem:s26+$0xFFFFFFD0];
	s29 =	sand.u32 $0x80, s29;
	s30 =	sadd.s32 s30, s20;
	[tilespmem:s27+$0x0] =	vst v6  }
0x38: {  	s30 =	sadd.s32 s29, s30;
	v6 =	vld [tilespmem:s26+$0x430];
	[tilespmem:s27+$0x10] =	vst v5;
	s29 =	smov.u32 s28  }
0x39: {  	v5 =	vld.idx.msk [tilespmem:v0+s30+$0x400 ss:$0x1], $0xffff;
	[tilespmem:s27+$0x20] =	vst v3  }
0x3a: {  	v3 =	vld [tilespmem:s26+$0xFFFFFFE0];
	[tilespmem:s27+$0x30] =	vst v4  }
0x3b: {  	v4 =	vld [tilespmem:s26+$0xFFFFFFF0];
	[tilespmem:s27+$0xFFFFFBF0] =	vst v7  }
0x3c: {  	v7 =	vld [tilespmem:s26+$0x0];
	[tilespmem:s27+$0x40] =	vst v1  }
0x3d: {  	v1 =	vld [tilespmem:s26+$0x10];
	[tilespmem:s27+$0x50] =	vst v2;
	s27 =	sadd.s32 $0x800, s27  }
0x3e: {  	s25 =	sadd.s32 $0x800, s25;
	v2 =	vld [tilespmem:s26+$0x20];
	[tilespmem:s27+$0x60] =	vst v6  }
0x3f: {  	v9 =	vld [tilespmem:s26+$0x30];
	[tilespmem:s25+$0x0] =	vst v5  }
0x40: {  	[tilespmem:s27+$0xFFFFFC00] =	vst v8;
	v6 =	vld [tilespmem:s26+$0x3D0]  }
0x41: {  	[tilespmem:s27+$0xFFFFFC10] =	vst v3;
	v5 =	vld [tilespmem:s26+$0x3E0]  }
.Ltmp3:
0x42: {  	[tilespmem:s27+$0xFFFFFC20] =	vst v4;
	v3 =	vld [tilespmem:s26+$0x3F0];
	(pc) =	sbr.rel @p1 .LBB1_4-.Ltmp3, $4  }
0x43: {  	[tilespmem:s27+$0xFFFFFC30] =	vst v7;
	v4 =	vld [tilespmem:s26+$0x400]  }
0x44: {  	[tilespmem:s27+$0xFFFFFC40] =	vst v1;
	v1 =	vld [tilespmem:s26+$0x410]  }
0x45: {  	[tilespmem:s27+$0xFFFFFC50] =	vst v2;
	v2 =	vld [tilespmem:s26+$0x420]  }
0x46: {  	s28 =	sadd.s32 $0x80, s28;
	s30 =	sand.u32 $0x300, s29;
	v7 =	vld [tilespmem:s26+$0xFFFFFFC0];
	[tilespmem:s27+$0xFFFFFC60] =	vst v9;
	s26 =	sadd.s32 $0x80, s26  }
0x47: {  	[tilespmem:s27+$0x0] =	vst v6  }
0x48: {  	[tilespmem:s27+$0x10] =	vst v5  }
0x49: {  	v49 =	vld [tilespmem:s26+$0x430];
	[tilespmem:s27+$0x20] =	vst v3  }
0x4a: {  	v50 =	vld [tilespmem:s26+$0xFFFFFFD0];
	[tilespmem:s27+$0x30] =	vst v4  }
0x4b: {  	v51 =	vld [tilespmem:s26+$0xFFFFFFE0];
	[tilespmem:s27+$0x40] =	vst v1  }
0x4c: {  	v52 =	vld [tilespmem:s26+$0xFFFFFFF0];
	[tilespmem:s27+$0x50] =	vst v2  }
0x4d: {  	s31 =	sadd.s32 $0x800, s27;
	v53 =	vld [tilespmem:s26+$0x0];
	[tilespmem:s27+$0xFFFFFBF0] =	vst v7  }
0x4e: {  	v54 =	vld [tilespmem:s26+$0x10];
	[tilespmem:s31+$0x60] =	vst v49  }
0x4f: {  	v55 =	vld [tilespmem:s26+$0x20];
	[tilespmem:s31+$0xFFFFFC00] =	vst v50  }
0x50: {  	v56 =	vld [tilespmem:s26+$0x30];
	[tilespmem:s31+$0xFFFFFC10] =	vst v51  }
0x51: {  	v57 =	vld [tilespmem:s26+$0x3D0];
	[tilespmem:s31+$0xFFFFFC20] =	vst v52  }
0x52: {  	v58 =	vld [tilespmem:s26+$0x3E0];
	[tilespmem:s31+$0xFFFFFC30] =	vst v53  }
0x53: {  	v59 =	vld [tilespmem:s26+$0x3F0];
	[tilespmem:s31+$0xFFFFFC40] =	vst v54  }
0x54: {  	v60 =	vld [tilespmem:s26+$0x400];
	[tilespmem:s31+$0xFFFFFC50] =	vst v55  }
0x55: {  	v61 =	vld [tilespmem:s26+$0xFFFFFFC0];
	[tilespmem:s31+$0xFFFFFC60] =	vst v56  }
0x56: {  	s28 =	sand.u32 $0x80, s29;
	s30 =	sadd.s32 s30, s20;
	v62 =	vld [tilespmem:s26+$0x410];
	[tilespmem:s31+$0x0] =	vst v57  }
0x57: {  	v63 =	vld [tilespmem:s26+$0x420];
	s24 =	sadd.s32 $0x1, s24;
	s28 =	sadd.s32 s28, s30;
	[tilespmem:s31+$0x10] =	vst v58  }
0x58: {  	p1 =	sne.s32 s24, $0x8;
	v0 =	vld.idx.msk [tilespmem:v0+s28+$0x400 ss:$0x1], $0xffff;
	[tilespmem:s31+$0x20] =	vst v59  }
.Ltmp4:
0x59: {  	[tilespmem:s31+$0x30] =	vst v60;
	(pc) =	sbr.rel @p1 .LBB1_3-.Ltmp4, $4  }
0x5a: {  	[tilespmem:s31+$0xFFFFFBF0] =	vst v61  }
0x5b: {  	[tilespmem:s31+$0x40] =	vst v62  }
0x5c: {  	s25 =	sadd.s32 $0x800, s25;
	s18 =	sadd.s32 $0x800, s18;
	[tilespmem:s31+$0x50] =	vst v63  }
0x5d: {  	s23 =	sadd.s32 $0x80, s23;
	p0 =	por !p0, !p0;
	s19 =	sadd.s32 $0x80, s19;
	[tilespmem:s25+$0x0] =	vst v0  }
0x5e: {  	s18 =	sshll.u32 s15, $0x8;
	s19 =	sshll.u32 s15, $0x7  }
0x5f: {  	s18 =	sand.u32 $0xFFFFF800, s18;
	s19 =	sand.u32 $0x300, s19  }
0x60: {  	s18 =	sor.u32 s19, s18  }
0x61: {  	s18 =	sshrl.u32 s18, $0x8  }
0x62: {  	s30 =	smulhi.u32 $0x1FE020, s18  }
0x63: {  	s16 =	smul.u32 $0x80800, s16  }
0x64: {  	s19 =	smul.u32 $0x808, s30  }
.Ltmp5:
0x65: {  	s31 =	sshll.u32 s15, $0x4;
	(pc) =	sbr.rel .LBB1_7-.Ltmp5, $4  }
0x66: {  	s15 =	sand.u32 $0x10, s31;
	s16 =	sadd.s32 s7, s16;
	s18 =	ssub.s32 s18, s19  }
0x67: {  	s15 =	sadd.s32 s15, s16;
	s18 =	sshll.u32 s18, $0x5  }
0x68: {  	s15 =	sadd.s32 s18, s15  }
0x69: {  	[hbm4b:s15+s9] =	stream.strided.scatter [tilespmem:s17], [sflag:$0x2], $0x4000, s10, s9, $0x38;
	[tilespmem:$0x10000] =	vst v63  }
.LBB1_8:
0x6a: {  	_ =	sfence.sel $0x180000  }
0x6b: {  	s1 =	simm.s32 $0x1;
	[bflag:$0x0] =	sbarrier.arrive $0xFFFF  }
0x6c: {  	s31 =	simm.s32 $0x2;
	[sflag:s1] =	ssyncpa.u1 $0x1  }
0x6d: {  	[sflag:s31] =	ssyncpa.u1 $0x1  }
0x6e: {  	p0 =	sne.s32 s0, $0x0;
	_ =	strace $0x90000047  }
0x6f: {  	s0 =	sadd.s32 @!p0 $0x100000, s4;
	[bflag:$0x2] =	sbarrier.arrive $0xFFFF  }
0x70: {  	[sflag:s0] =	ssyncadd.tile.s32 @!p0 $0x1;
	_ =	shalt  }
.Lfunc_end1:
_tile_overlayer_lowered:
.L_overlay_start_2:
0x71: {  	(tag) =	ssettag $0x2  }
0x72: {  	s0 =	rddreg [dreg:$0x0];
	s2 =	stileid.u32  }
0x73: {  	s1 =	rddreg [dreg:$0x1];
	p0 =	sne.s32 s2, $0x0  }
0x74: {  	s3 =	rddreg [dreg:$0x2];
	[bflag:$0x3] =	sbarrier.arrive $0xFFFF;
	s2 =	simm.s32 @!p0 $0x1C01  }
0x75: {  	[timem:s3], [sflag:s2] =	dma.local @!p0 [hbm:s0], s1  }
0x76: {  	s0 =	simm.s32 @!p0 $0x1  }
0x77: {  	_ =	swait.ge @!p0 [sflag:s0], s1  }
0x78: {  	s1 =	ssub.s32 @!p0 $0x0, s1;
	[sflag:s0] =	ssyncset.done @!p0 $0x0  }
0x79: {  	[sflag:s0] =	ssyncadd.s32 @!p0 s1  }
0x7a: {  	[bflag:$0x3] =	sbarrier.arrive $0xFFFF  }
0x7b: {  	_ =	shalt  }

</sc_bundles>
